<compile_context>
chip_gen: v7x
topology: tpu7x:2x2x1
jax: 0.10.2.dev20260603
libtpu: 0.0.44.dev20260713+nightly
codegen_flags: <defaults>
</compile_context>

<pallas_src>
import functools

import jax
import jax.numpy as jnp
from jax import lax
from jax.experimental import pallas as pl
from jax.experimental.pallas import tpu as pltpu
from jax.experimental.pallas import tpu_sc as plsc

_TOPK = 10
_TILE_K = 4096


def _topk_body(k_total, x_ref, p_ref, vals_ref, idx_ref, qn_ref, run_v_ref,
               run_i_ref):
    i = pl.program_id(0)
    nsteps = pl.num_programs(0)

    @pl.when(i == 0)
    def _init():
        x = x_ref[...]
        q = x - jnp.mean(x, axis=1, keepdims=True)
        nrm = jnp.sqrt(jnp.sum(q * q, axis=1, keepdims=True))
        qn_ref[...] = q / (nrm + 1e-12)
        run_v_ref[...] = jnp.full(run_v_ref.shape, -jnp.inf, run_v_ref.dtype)
        run_i_ref[...] = jnp.zeros(run_i_ref.shape, run_i_ref.dtype)

    p = p_ref[...]
    ones_row = jnp.ones((1, p.shape[1]), jnp.float32)
    s2 = lax.dot_general(ones_row, p * p, (((1,), (1,)), ((), ())),
                         preferred_element_type=jnp.float32)
    scale = 1.0 / (jnp.sqrt(s2) + 1e-12)
    sims = lax.dot_general(qn_ref[...], p, (((1,), (1,)), ((), ())),
                           preferred_element_type=jnp.float32) * scale
    col = i * _TILE_K + lax.broadcasted_iota(jnp.int32, sims.shape, 1)
    sims = jnp.where(col < k_total, sims, -jnp.inf)

    int_max = jnp.int32(2**31 - 1)
    neg = jnp.float32(-jnp.inf)
    q = sims.shape[0]
    lane10 = lax.broadcasted_iota(jnp.int32, (q, _TOPK), 1)

    def _extract(cur):
        m = jnp.max(cur, axis=1, keepdims=True)
        am = jnp.min(jnp.where(cur == m, col, int_max), axis=1, keepdims=True)
        return m, am, jnp.where(col == am, neg, cur)

    def _insert(rv, ri, m, am):
        pos = jnp.sum((rv >= m).astype(jnp.int32), axis=1, keepdims=True)
        pv = jnp.concatenate([rv[:, :1], rv[:, : _TOPK - 1]], axis=1)
        pi = jnp.concatenate([ri[:, :1], ri[:, : _TOPK - 1]], axis=1)
        nv = jnp.where(lane10 < pos, rv, jnp.where(lane10 == pos, m, pv))
        ni = jnp.where(lane10 < pos, ri, jnp.where(lane10 == pos, am, pi))
        return nv, ni

    cur = sims
    rv, ri = run_v_ref[...], run_i_ref[...]
    m = None
    for _ in range(5):
        m, am, cur = _extract(cur)
        rv, ri = _insert(rv, ri, m, am)
    run_v_ref[...] = rv
    run_i_ref[...] = ri

    flag = jnp.any(m > rv[:, _TOPK - 1:])

    @pl.when(flag)
    def _more():
        c, v, ix = cur, rv, ri
        for _ in range(_TOPK - 5):
            mm, am2, c = _extract(c)
            v, ix = _insert(v, ix, mm, am2)
        run_v_ref[...] = v
        run_i_ref[...] = ix

    @pl.when(i == nsteps - 1)
    def _out():
        vals_ref[...] = run_v_ref[...]
        idx_ref[...] = run_i_ref[...]


def _topk_call(x, patterns):
    q, d = x.shape
    k_total = patterns.shape[0]
    grid = (pl.cdiv(k_total, _TILE_K),)
    return pl.pallas_call(
        functools.partial(_topk_body, k_total),
        grid=grid,
        in_specs=[
            pl.BlockSpec((q, d), lambda i: (0, 0)),
            pl.BlockSpec((_TILE_K, d), lambda i: (i, 0)),
        ],
        out_specs=[
            pl.BlockSpec((q, _TOPK), lambda i: (0, 0)),
            pl.BlockSpec((q, _TOPK), lambda i: (0, 0)),
        ],
        out_shape=[
            jax.ShapeDtypeStruct((q, _TOPK), jnp.float32),
            jax.ShapeDtypeStruct((q, _TOPK), jnp.int32),
        ],
        scratch_shapes=[
            pltpu.VMEM((q, d), jnp.float32),
            pltpu.VMEM((q, _TOPK), jnp.float32),
            pltpu.VMEM((q, _TOPK), jnp.int32),
        ],
        compiler_params=pltpu.CompilerParams(
            vmem_limit_bytes=100 * 1024 * 1024),
    )(x, patterns)


def _sc_gather(table, flat_idx):
    info = plsc.get_sparse_core_info()
    nc, ns = info.num_cores, info.num_subcores
    nw = nc * ns
    b = flat_idx.shape[0]
    b_per_w = b // nw
    mesh = plsc.VectorSubcoreMesh(core_axis_name="c", subcore_axis_name="s")

    @functools.partial(
        pl.kernel,
        mesh=mesh,
        out_type=jax.ShapeDtypeStruct((b, table.shape[1]), table.dtype),
        scratch_types=[
            pltpu.VMEM((b_per_w,), jnp.int32),
            pltpu.VMEM((b_per_w, table.shape[1]), table.dtype),
            pltpu.SemaphoreType.DMA,
        ],
        compiler_params=pltpu.CompilerParams(use_tc_tiling_on_sc=False),
    )
    def gather_k(table_hbm, idx_hbm, out_hbm, idx_v, rows_v, sem):
        wid = lax.axis_index("s") * nc + lax.axis_index("c")
        base = wid * b_per_w
        pltpu.sync_copy(idx_hbm.at[pl.ds(base, b_per_w)], idx_v)
        pltpu.async_copy(table_hbm.at[idx_v], rows_v, sem).wait()
        pltpu.sync_copy(rows_v, out_hbm.at[pl.ds(base, b_per_w)])

    return gather_k(table, flat_idx)


def kernel(experimental_data, patterns, so3_samples_fz, topk):
    top_vals, top_idx = _topk_call(experimental_data, patterns)
    tz = jnp.asarray(topk) * 0
    top_vals = top_vals + tz.astype(top_vals.dtype)
    top_idx = top_idx + tz.astype(top_idx.dtype)

    b = top_idx.size
    align = 256
    bp = ((b + align - 1) // align) * align
    flat = jnp.concatenate(
        [top_idx.reshape(-1), jnp.zeros((bp - b,), jnp.int32)])
    d_out = so3_samples_fz.shape[1]
    table = jnp.pad(so3_samples_fz, ((0, 0), (0, 8 - d_out)))
    rows = _sc_gather(table, flat)
    orientations = rows[:b, :d_out].reshape(
        top_idx.shape[0], _TOPK, d_out)
    return top_vals, top_idx, orientations

# --- scband reference (transcript-rebuilt; emitter-appended) ---
"""Pipeline reference for scband-ebsddi-67783173865717 (READ-ONLY COPY).

The authoritative reference and input builder live on the scoring server;
editing this copy changes nothing except your own understanding.
"""

import jax, jax.numpy as jnp
import numpy as np


def setup_inputs(seed: int = 0) -> dict:
    key = jax.random.key(seed)
    k1, k2, k3 = jax.random.split(key, 3)
    Q, K, D = 64, 100000, 1024
    experimental_data = jax.random.normal(k1, (Q, D), dtype=jnp.float32)
    # dictionary patterns: projected master-pattern dictionary, mean-subtracted per row
    patterns = jax.random.normal(k2, (K, D), dtype=jnp.float32)
    patterns = patterns - jnp.mean(patterns, axis=1, keepdims=True)
    # SO(3) fundamental-zone quaternion samples, unit-normalized
    so3 = jax.random.normal(k3, (K, 4), dtype=jnp.float32)
    so3 = so3 / jnp.linalg.norm(so3, axis=1, keepdims=True)
    return {
        "experimental_data": experimental_data,
        "patterns": patterns,
        "so3_samples_fz": so3,
        "topk": 10,
    }


def reference(experimental_data, patterns, so3_samples_fz, topk):
    # di_patterns with metric='angular' (cosine similarity), subtract_mean=True,
    # followed by lookup_orientations on the top-k indices.
    q = experimental_data - jnp.mean(experimental_data, axis=1, keepdims=True)
    qn = q / (jnp.linalg.norm(q, axis=1, keepdims=True) + 1e-12)
    dn = patterns / (jnp.linalg.norm(patterns, axis=1, keepdims=True) + 1e-12)
    sims = qn @ dn.T  # [Q, K] cosine similarity
    top_vals, top_idx = jax.lax.top_k(sims, 10)  # nearest neighbors per query
    topk_zero = jnp.asarray(topk) * 0
    top_vals = top_vals + topk_zero.astype(top_vals.dtype)
    top_idx = top_idx + topk_zero.astype(top_idx.dtype)
    orientations = jnp.take(so3_samples_fz, top_idx, axis=0)  # [Q, topk, 4]
    return top_vals, top_idx, orientations

if __name__ == "__main__":
    import jax
    _d = setup_inputs()
    print(jax.jit(kernel)(*tuple(_d.values())))

</pallas_src>

<mosaic_0001>
#map = affine_map<(d0, d1) -> (0, 0)>
#map1 = affine_map<(d0, d1) -> (0)>
module attributes {stable_mosaic.version = 14 : i64} {
  func.func @gather_k(%arg0: i32, %arg1: i32, %arg2: memref<100000x8xf32, #tpu.memory_space<hbm>>, %arg3: memref<768xi32, #tpu.memory_space<hbm>>, %arg4: memref<768x8xf32, #tpu.memory_space<hbm>>, %arg5: memref<24xi32, #tpu.memory_space<vmem>>, %arg6: memref<24x8xf32, #tpu.memory_space<vmem>>, %arg7: memref<!tpu.dma_semaphore, #tpu.memory_space<semaphore_mem>>) attributes {dimension_semantics = [#tpu.dimension_semantics<core_parallel>, #tpu.dimension_semantics<subcore_parallel>], iteration_bounds = array<i64: 2, 16>, scalar_prefetch = 0 : i64, scratch_operands = 3 : i64, tpu.core_type = #tpu.core_type<sc_vector_subcore>, window_params = [{transform_indices = #map}, {transform_indices = #map1}, {transform_indices = #map}]} {
    %mul3A = arith.constant 2 : i32
    %mul3A_0 = arith.muli %arg1, %mul3A : i32
    %add3A = arith.addi %mul3A_0, %arg0 : i32
    %mul3A_1 = arith.constant 24 : i32
    %mul3A_2 = arith.muli %add3A, %mul3A_1 : i32
    "tpu.region"() ({
      %run_scoped3A = tpu.sem_alloc : memref<!tpu.dma_semaphore, #tpu.memory_space<semaphore_mem>>
      %dma_start3A_7 = tpu.memref_slice %arg3[%mul3A_2] : memref<768xi32, #tpu.memory_space<hbm>> -> memref<24xi32, #tpu.memory_space<hbm>>
      %dma_start3A_8 = tpu.memref_slice %arg3[%mul3A_2] : memref<768xi32, #tpu.memory_space<hbm>> -> memref<24xi32, #tpu.memory_space<hbm>>
      tpu.enqueue_dma source(%dma_start3A_8 : memref<24xi32, #tpu.memory_space<hbm>>) target(%arg5 : memref<24xi32, #tpu.memory_space<vmem>>) target_semaphore(%run_scoped3A : memref<!tpu.dma_semaphore, #tpu.memory_space<semaphore_mem>>)
      %dma_wait3A_9 = tpu.memref_slice %arg3[%mul3A_2] : memref<768xi32, #tpu.memory_space<hbm>> -> memref<24xi32, #tpu.memory_space<hbm>>
      %dma_wait3A_10 = tpu.memref_slice %arg3[%mul3A_2] : memref<768xi32, #tpu.memory_space<hbm>> -> memref<24xi32, #tpu.memory_space<hbm>>
      tpu.wait_dma2 semaphore(%run_scoped3A : memref<!tpu.dma_semaphore, #tpu.memory_space<semaphore_mem>>) src(%dma_wait3A_10 : memref<24xi32, #tpu.memory_space<hbm>>) dst(%arg5 : memref<24xi32, #tpu.memory_space<vmem>>)
      tpu.yield
    }) : () -> ()
    %dma_start3A = arith.constant 0 : i32
    %dma_start3A_3 = arith.constant 0 : i32
    %dma_start3A_4 = tpu.memref_slice %arg2[%dma_start3A, %dma_start3A_3] : memref<100000x8xf32, #tpu.memory_space<hbm>> -> memref<100000x8xf32, #tpu.memory_space<hbm>>
    tpu.enqueue_indirect_dma source(%dma_start3A_4 : memref<100000x8xf32, #tpu.memory_space<hbm>>) target(%arg6 : memref<24x8xf32, #tpu.memory_space<vmem>>) offsets(%arg5 : memref<24xi32, #tpu.memory_space<vmem>>) semaphore(%arg7 : memref<!tpu.dma_semaphore, #tpu.memory_space<semaphore_mem>>)
    %dma_wait3A = arith.constant 0 : i32
    %dma_wait3A_5 = arith.constant 0 : i32
    %dma_wait3A_6 = tpu.memref_slice %arg2[%dma_wait3A, %dma_wait3A_5] : memref<100000x8xf32, #tpu.memory_space<hbm>> -> memref<100000x8xf32, #tpu.memory_space<hbm>>
    tpu.wait_indirect_dma semaphore(%arg7 : memref<!tpu.dma_semaphore, #tpu.memory_space<semaphore_mem>>) src(%dma_wait3A_6 : memref<100000x8xf32, #tpu.memory_space<hbm>>) dst(%arg6 : memref<24x8xf32, #tpu.memory_space<vmem>>)
    "tpu.region"() ({
      %run_scoped3A = tpu.sem_alloc : memref<!tpu.dma_semaphore, #tpu.memory_space<semaphore_mem>>
      %dma_start3A_7 = arith.constant 0 : i32
      %dma_start3A_8 = tpu.memref_slice %arg4[%mul3A_2, %dma_start3A_7] : memref<768x8xf32, #tpu.memory_space<hbm>> -> memref<24x8xf32, #tpu.memory_space<hbm>>
      %dma_start3A_9 = arith.constant 0 : i32
      %dma_start3A_10 = tpu.memref_slice %arg4[%mul3A_2, %dma_start3A_9] : memref<768x8xf32, #tpu.memory_space<hbm>> -> memref<24x8xf32, #tpu.memory_space<hbm>>
      tpu.enqueue_dma source(%arg6 : memref<24x8xf32, #tpu.memory_space<vmem>>) target(%dma_start3A_10 : memref<24x8xf32, #tpu.memory_space<hbm>>) target_semaphore(%run_scoped3A : memref<!tpu.dma_semaphore, #tpu.memory_space<semaphore_mem>>)
      %dma_wait3A_11 = arith.constant 0 : i32
      %dma_wait3A_12 = tpu.memref_slice %arg4[%mul3A_2, %dma_wait3A_11] : memref<768x8xf32, #tpu.memory_space<hbm>> -> memref<24x8xf32, #tpu.memory_space<hbm>>
      %dma_wait3A_13 = arith.constant 0 : i32
      %dma_wait3A_14 = tpu.memref_slice %arg4[%mul3A_2, %dma_wait3A_13] : memref<768x8xf32, #tpu.memory_space<hbm>> -> memref<24x8xf32, #tpu.memory_space<hbm>>
      tpu.wait_dma2 semaphore(%run_scoped3A : memref<!tpu.dma_semaphore, #tpu.memory_space<semaphore_mem>>) src(%arg6 : memref<24x8xf32, #tpu.memory_space<vmem>>) dst(%dma_wait3A_14 : memref<24x8xf32, #tpu.memory_space<hbm>>)
      tpu.yield
    }) : () -> ()
    return
  }
}

module attributes {stable_mosaic.version = 14 : i64} {
  func.func @_topk_body(%arg0: i32, %arg1: memref<64x1024xf32, #tpu.memory_space<vmem>>, %arg2: memref<4096x1024xf32, #tpu.memory_space<vmem>>, %arg3: memref<64x10xf32, #tpu.memory_space<vmem>>, %arg4: memref<64x10xi32, #tpu.memory_space<vmem>>, %arg5: memref<64x1024xf32, #tpu.memory_space<vmem>>, %arg6: memref<64x10xf32, #tpu.memory_space<vmem>>, %arg7: memref<64x10xi32, #tpu.memory_space<vmem>>) attributes {dimension_semantics = [#tpu.dimension_semantics<arbitrary>], iteration_bounds = array<i64: 25>, scalar_prefetch = 0 : i64, scratch_operands = 3 : i64, tpu.core_type = #tpu.core_type<tc>, window_params = [{pipeline_mode = #tpu.pipeline_mode<synchronous>, transform_indices = @transform_0, window_bounds = array<i64: 64, 1024>}, {transform_indices = @transform_1, window_bounds = array<i64: 4096, 1024>}, {pipeline_mode = #tpu.pipeline_mode<synchronous>, transform_indices = @transform_2, window_bounds = array<i64: 64, 10>}, {pipeline_mode = #tpu.pipeline_mode<synchronous>, transform_indices = @transform_3, window_bounds = array<i64: 64, 10>}]} {
    %eq3A = arith.constant 0 : i32
    %eq3A_0 = arith.cmpi eq, %arg0, %eq3A : i32
    %convert_element_type3A = arith.extui %eq3A_0 : i1 to i32
    %cond3A = arith.constant 0 : i32
    %cond3A_1 = arith.cmpi ne, %convert_element_type3A, %cond3A : i32
    scf.if %cond3A_1 {
      %get3A_272 = arith.constant 0 : index
      %get3A_273 = arith.constant 0 : index
      %get3A_274 = vector.load %arg1[%get3A_272, %get3A_273] : memref<64x1024xf32, #tpu.memory_space<vmem>>, vector<64x1024xf32>
      %reduce_sum3A_275 = arith.constant dense<0.000000e+00> : vector<64xf32>
      %reduce_sum3A_276 = vector.multi_reduction <add>, %get3A_274, %reduce_sum3A_275 [1] : vector<64x1024xf32> to vector<64xf32>
      %broadcast_in_dim3A_277 = vector.shape_cast %reduce_sum3A_276 : vector<64xf32> to vector<64x1xf32>
      %div3A_278 = arith.constant 1.024000e+03 : f32
      %div3A_279 = vector.broadcast %div3A_278 : f32 to vector<64x1xf32>
      %div3A_280 = arith.divf %broadcast_in_dim3A_277, %div3A_279 : vector<64x1xf32>
      %sub3A = vector.broadcast %div3A_280 : vector<64x1xf32> to vector<64x1024xf32>
      %sub3A_281 = arith.subf %get3A_274, %sub3A : vector<64x1024xf32>
      %mul3A_282 = arith.mulf %sub3A_281, %sub3A_281 : vector<64x1024xf32>
      %reduce_sum3A_283 = arith.constant dense<0.000000e+00> : vector<64xf32>
      %reduce_sum3A_284 = vector.multi_reduction <add>, %mul3A_282, %reduce_sum3A_283 [1] : vector<64x1024xf32> to vector<64xf32>
      %broadcast_in_dim3A_285 = vector.shape_cast %reduce_sum3A_284 : vector<64xf32> to vector<64x1xf32>
      %sqrt3A_286 = math.sqrt %broadcast_in_dim3A_285 : vector<64x1xf32>
      %add3A_287 = arith.constant 9.99999996E-13 : f32
      %add3A_288 = vector.broadcast %add3A_287 : f32 to vector<64x1xf32>
      %add3A_289 = arith.addf %sqrt3A_286, %add3A_288 : vector<64x1xf32>
      %div3A_290 = vector.broadcast %add3A_289 : vector<64x1xf32> to vector<64x1024xf32>
      %div3A_291 = arith.divf %sub3A_281, %div3A_290 : vector<64x1024xf32>
      %swap3A_292 = arith.constant 0 : index
      %swap3A_293 = arith.constant 0 : index
      %swap3A_294 = vector.load %arg5[%swap3A_292, %swap3A_293] : memref<64x1024xf32, #tpu.memory_space<vmem>>, vector<64x1024xf32>
      tpu.vector_store %arg5[%swap3A_292, %swap3A_293], %div3A_291 {strides = array<i32>} : memref<64x1024xf32, #tpu.memory_space<vmem>>, vector<64x1024xf32>,
      %broadcast_in_dim3A_295 = arith.constant 0xFF800000 : f32
      %broadcast_in_dim3A_296 = vector.broadcast %broadcast_in_dim3A_295 : f32 to vector<64x10xf32>
      %swap3A_297 = arith.constant 0 : index
      %swap3A_298 = arith.constant 0 : index
      %swap3A_299 = vector.load %arg6[%swap3A_297, %swap3A_298] : memref<64x10xf32, #tpu.memory_space<vmem>>, vector<64x10xf32>
      tpu.vector_store %arg6[%swap3A_297, %swap3A_298], %broadcast_in_dim3A_296 {strides = array<i32>} : memref<64x10xf32, #tpu.memory_space<vmem>>, vector<64x10xf32>,
      %broadcast_in_dim3A_300 = arith.constant 0 : i32
      %broadcast_in_dim3A_301 = vector.broadcast %broadcast_in_dim3A_300 : i32 to vector<64x10xi32>
      %swap3A_302 = arith.constant 0 : index
      %swap3A_303 = arith.constant 0 : index
      %swap3A_304 = vector.load %arg7[%swap3A_302, %swap3A_303] : memref<64x10xi32, #tpu.memory_space<vmem>>, vector<64x10xi32>
      tpu.vector_store %arg7[%swap3A_302, %swap3A_303], %broadcast_in_dim3A_301 {strides = array<i32>} : memref<64x10xi32, #tpu.memory_space<vmem>>, vector<64x10xi32>,
    } else {
    }
    %get3A = arith.constant 0 : index
    %get3A_2 = arith.constant 0 : index
    %get3A_3 = vector.load %arg2[%get3A, %get3A_2] : memref<4096x1024xf32, #tpu.memory_space<vmem>>, vector<4096x1024xf32>
    %broadcast_in_dim3A = arith.constant 1.000000e+00 : f32
    %broadcast_in_dim3A_4 = vector.broadcast %broadcast_in_dim3A : f32 to vector<1x1024xf32>
    %mul3A = arith.mulf %get3A_3, %get3A_3 : vector<4096x1024xf32>
    %dot_general3A = arith.constant dense<0.000000e+00> : vector<1x4096xf32>
    %dot_general3A_5 = tpu.matmul %broadcast_in_dim3A_4, %mul3A, %dot_general3A {dimension_numbers = #tpu.dot_dimension_numbers<[1], [1], [0], [0], [0, 0, 1, 0], [], []>, transpose_lhs_hint = false} : vector<1x1024xf32>, vector<4096x1024xf32>, vector<1x4096xf32> -> vector<1x4096xf32>
    %sqrt3A = math.sqrt %dot_general3A_5 : vector<1x4096xf32>
    %add3A = arith.constant 9.99999996E-13 : f32
    %add3A_6 = vector.broadcast %add3A : f32 to vector<1x4096xf32>
    %add3A_7 = arith.addf %sqrt3A, %add3A_6 : vector<1x4096xf32>
    %div3A = arith.constant 1.000000e+00 : f32
    %div3A_8 = vector.broadcast %div3A : f32 to vector<1x4096xf32>
    %div3A_9 = arith.divf %div3A_8, %add3A_7 : vector<1x4096xf32>
    %get3A_10 = arith.constant 0 : index
    %get3A_11 = arith.constant 0 : index
    %get3A_12 = vector.load %arg5[%get3A_10, %get3A_11] : memref<64x1024xf32, #tpu.memory_space<vmem>>, vector<64x1024xf32>
    %dot_general3A_13 = arith.constant dense<0.000000e+00> : vector<64x4096xf32>
    %dot_general3A_14 = tpu.matmul %get3A_12, %get3A_3, %dot_general3A_13 {dimension_numbers = #tpu.dot_dimension_numbers<[1], [1], [0], [0], [0, 0, 1, 0], [], []>, transpose_lhs_hint = false} : vector<64x1024xf32>, vector<4096x1024xf32>, vector<64x4096xf32> -> vector<64x4096xf32>
    %mul3A_15 = vector.broadcast %div3A_9 : vector<1x4096xf32> to vector<64x4096xf32>
    %mul3A_16 = arith.mulf %dot_general3A_14, %mul3A_15 : vector<64x4096xf32>
    %mul3A_17 = arith.constant 4096 : i32
    %mul3A_18 = arith.muli %arg0, %mul3A_17 : i32
    %iota3A = tpu.iota {dimensions = array<i32: 1>} : vector<64x4096xi32>
    %add3A_19 = vector.broadcast %mul3A_18 : i32 to vector<64x4096xi32>
    %add3A_20 = arith.addi %add3A_19, %iota3A : vector<64x4096xi32>
    %lt3A = arith.constant 100000 : i32
    %lt3A_21 = vector.broadcast %lt3A : i32 to vector<64x4096xi32>
    %lt3A_22 = arith.cmpi slt, %add3A_20, %lt3A_21 : vector<64x4096xi32>
    %jit3A = arith.constant 0xFF800000 : f32
    %broadcast_in_dim3A_23 = vector.broadcast %jit3A : f32 to vector<64x4096xf32>
    %select_n3A = arith.select %lt3A_22, %mul3A_16, %broadcast_in_dim3A_23 : vector<64x4096xi1>, vector<64x4096xf32>
    %iota3A_24 = tpu.iota {dimensions = array<i32: 1>} : vector<64x10xi32>
    %get3A_25 = arith.constant 0 : index
    %get3A_26 = arith.constant 0 : index
    %get3A_27 = vector.load %arg6[%get3A_25, %get3A_26] : memref<64x10xf32, #tpu.memory_space<vmem>>, vector<64x10xf32>
    %get3A_28 = arith.constant 0 : index
    %get3A_29 = arith.constant 0 : index
    %get3A_30 = vector.load %arg7[%get3A_28, %get3A_29] : memref<64x10xi32, #tpu.memory_space<vmem>>, vector<64x10xi32>
    %reduce_max3A = arith.constant dense<0xFF800000> : vector<64xf32>
    %reduce_max3A_31 = vector.multi_reduction <maximumf>, %select_n3A, %reduce_max3A [1] : vector<64x4096xf32> to vector<64xf32>
    %broadcast_in_dim3A_32 = vector.shape_cast %reduce_max3A_31 : vector<64xf32> to vector<64x1xf32>
    %eq3A_33 = vector.broadcast %broadcast_in_dim3A_32 : vector<64x1xf32> to vector<64x4096xf32>
    %eq3A_34 = arith.cmpf oeq, %select_n3A, %eq3A_33 : vector<64x4096xf32>
    %jit3A_35 = arith.constant 2147483647 : i32
    %broadcast_in_dim3A_36 = vector.broadcast %jit3A_35 : i32 to vector<64x4096xi32>
    %select_n3A_37 = arith.select %eq3A_34, %add3A_20, %broadcast_in_dim3A_36 : vector<64x4096xi1>, vector<64x4096xi32>
    %reduce_min3A = arith.constant dense<2147483647> : vector<64xi32>
    %reduce_min3A_38 = vector.multi_reduction <minsi>, %select_n3A_37, %reduce_min3A [1] : vector<64x4096xi32> to vector<64xi32>
    %broadcast_in_dim3A_39 = vector.shape_cast %reduce_min3A_38 : vector<64xi32> to vector<64x1xi32>
    %eq3A_40 = vector.broadcast %broadcast_in_dim3A_39 : vector<64x1xi32> to vector<64x4096xi32>
    %eq3A_41 = arith.cmpi eq, %add3A_20, %eq3A_40 : vector<64x4096xi32>
    %jit3A_42 = arith.constant 0xFF800000 : f32
    %broadcast_in_dim3A_43 = vector.broadcast %jit3A_42 : f32 to vector<64x4096xf32>
    %select_n3A_44 = arith.select %eq3A_41, %broadcast_in_dim3A_43, %select_n3A : vector<64x4096xi1>, vector<64x4096xf32>
    %ge3A = vector.broadcast %broadcast_in_dim3A_32 : vector<64x1xf32> to vector<64x10xf32>
    %ge3A_45 = arith.cmpf oge, %get3A_27, %ge3A : vector<64x10xf32>
    %convert_element_type3A_46 = arith.extui %ge3A_45 : vector<64x10xi1> to vector<64x10xi32>
    %reduce_sum3A = arith.constant dense<0> : vector<64xi32>
    %reduce_sum3A_47 = vector.multi_reduction <add>, %convert_element_type3A_46, %reduce_sum3A [1] : vector<64x10xi32> to vector<64xi32>
    %broadcast_in_dim3A_48 = vector.shape_cast %reduce_sum3A_47 : vector<64xi32> to vector<64x1xi32>
    %slice3A = vector.extract_strided_slice %get3A_27 {offsets = [0, 0], sizes = [64, 1], strides = [1, 1]} : vector<64x10xf32> to vector<64x1xf32>
    %slice3A_49 = vector.extract_strided_slice %get3A_27 {offsets = [0, 0], sizes = [64, 9], strides = [1, 1]} : vector<64x10xf32> to vector<64x9xf32>
    %concatenate3A = tpu.concatenate %slice3A, %slice3A_49 in 1 : vector<64x1xf32>, vector<64x9xf32> -> vector<64x10xf32>
    %slice3A_50 = vector.extract_strided_slice %get3A_30 {offsets = [0, 0], sizes = [64, 1], strides = [1, 1]} : vector<64x10xi32> to vector<64x1xi32>
    %slice3A_51 = vector.extract_strided_slice %get3A_30 {offsets = [0, 0], sizes = [64, 9], strides = [1, 1]} : vector<64x10xi32> to vector<64x9xi32>
    %concatenate3A_52 = tpu.concatenate %slice3A_50, %slice3A_51 in 1 : vector<64x1xi32>, vector<64x9xi32> -> vector<64x10xi32>
    %lt3A_53 = vector.broadcast %broadcast_in_dim3A_48 : vector<64x1xi32> to vector<64x10xi32>
    %lt3A_54 = arith.cmpi slt, %iota3A_24, %lt3A_53 : vector<64x10xi32>
    %eq3A_55 = vector.broadcast %broadcast_in_dim3A_48 : vector<64x1xi32> to vector<64x10xi32>
    %eq3A_56 = arith.cmpi eq, %iota3A_24, %eq3A_55 : vector<64x10xi32>
    %broadcast_in_dim3A_57 = vector.shape_cast %broadcast_in_dim3A_32 : vector<64x1xf32> to vector<64x1xf32>
    %broadcast_in_dim3A_58 = vector.broadcast %broadcast_in_dim3A_57 : vector<64x1xf32> to vector<64x10xf32>
    %select_n3A_59 = arith.select %eq3A_56, %broadcast_in_dim3A_58, %concatenate3A : vector<64x10xi1>, vector<64x10xf32>
    %select_n3A_60 = arith.select %lt3A_54, %get3A_27, %select_n3A_59 : vector<64x10xi1>, vector<64x10xf32>
    %lt3A_61 = vector.broadcast %broadcast_in_dim3A_48 : vector<64x1xi32> to vector<64x10xi32>
    %lt3A_62 = arith.cmpi slt, %iota3A_24, %lt3A_61 : vector<64x10xi32>
    %eq3A_63 = vector.broadcast %broadcast_in_dim3A_48 : vector<64x1xi32> to vector<64x10xi32>
    %eq3A_64 = arith.cmpi eq, %iota3A_24, %eq3A_63 : vector<64x10xi32>
    %broadcast_in_dim3A_65 = vector.shape_cast %broadcast_in_dim3A_39 : vector<64x1xi32> to vector<64x1xi32>
    %broadcast_in_dim3A_66 = vector.broadcast %broadcast_in_dim3A_65 : vector<64x1xi32> to vector<64x10xi32>
    %select_n3A_67 = arith.select %eq3A_64, %broadcast_in_dim3A_66, %concatenate3A_52 : vector<64x10xi1>, vector<64x10xi32>
    %select_n3A_68 = arith.select %lt3A_62, %get3A_30, %select_n3A_67 : vector<64x10xi1>, vector<64x10xi32>
    %reduce_max3A_69 = arith.constant dense<0xFF800000> : vector<64xf32>
    %reduce_max3A_70 = vector.multi_reduction <maximumf>, %select_n3A_44, %reduce_max3A_69 [1] : vector<64x4096xf32> to vector<64xf32>
    %broadcast_in_dim3A_71 = vector.shape_cast %reduce_max3A_70 : vector<64xf32> to vector<64x1xf32>
    %eq3A_72 = vector.broadcast %broadcast_in_dim3A_71 : vector<64x1xf32> to vector<64x4096xf32>
    %eq3A_73 = arith.cmpf oeq, %select_n3A_44, %eq3A_72 : vector<64x4096xf32>
    %jit3A_74 = arith.constant 2147483647 : i32
    %broadcast_in_dim3A_75 = vector.broadcast %jit3A_74 : i32 to vector<64x4096xi32>
    %select_n3A_76 = arith.select %eq3A_73, %add3A_20, %broadcast_in_dim3A_75 : vector<64x4096xi1>, vector<64x4096xi32>
    %reduce_min3A_77 = arith.constant dense<2147483647> : vector<64xi32>
    %reduce_min3A_78 = vector.multi_reduction <minsi>, %select_n3A_76, %reduce_min3A_77 [1] : vector<64x4096xi32> to vector<64xi32>
    %broadcast_in_dim3A_79 = vector.shape_cast %reduce_min3A_78 : vector<64xi32> to vector<64x1xi32>
    %eq3A_80 = vector.broadcast %broadcast_in_dim3A_79 : vector<64x1xi32> to vector<64x4096xi32>
    %eq3A_81 = arith.cmpi eq, %add3A_20, %eq3A_80 : vector<64x4096xi32>
    %jit3A_82 = arith.constant 0xFF800000 : f32
    %broadcast_in_dim3A_83 = vector.broadcast %jit3A_82 : f32 to vector<64x4096xf32>
    %select_n3A_84 = arith.select %eq3A_81, %broadcast_in_dim3A_83, %select_n3A_44 : vector<64x4096xi1>, vector<64x4096xf32>
    %ge3A_85 = vector.broadcast %broadcast_in_dim3A_71 : vector<64x1xf32> to vector<64x10xf32>
    %ge3A_86 = arith.cmpf oge, %select_n3A_60, %ge3A_85 : vector<64x10xf32>
    %convert_element_type3A_87 = arith.extui %ge3A_86 : vector<64x10xi1> to vector<64x10xi32>
    %reduce_sum3A_88 = arith.constant dense<0> : vector<64xi32>
    %reduce_sum3A_89 = vector.multi_reduction <add>, %convert_element_type3A_87, %reduce_sum3A_88 [1] : vector<64x10xi32> to vector<64xi32>
    %broadcast_in_dim3A_90 = vector.shape_cast %reduce_sum3A_89 : vector<64xi32> to vector<64x1xi32>
    %slice3A_91 = vector.extract_strided_slice %select_n3A_60 {offsets = [0, 0], sizes = [64, 1], strides = [1, 1]} : vector<64x10xf32> to vector<64x1xf32>
    %slice3A_92 = vector.extract_strided_slice %select_n3A_60 {offsets = [0, 0], sizes = [64, 9], strides = [1, 1]} : vector<64x10xf32> to vector<64x9xf32>
    %concatenate3A_93 = tpu.concatenate %slice3A_91, %slice3A_92 in 1 : vector<64x1xf32>, vector<64x9xf32> -> vector<64x10xf32>
    %slice3A_94 = vector.extract_strided_slice %select_n3A_68 {offsets = [0, 0], sizes = [64, 1], strides = [1, 1]} : vector<64x10xi32> to vector<64x1xi32>
    %slice3A_95 = vector.extract_strided_slice %select_n3A_68 {offsets = [0, 0], sizes = [64, 9], strides = [1, 1]} : vector<64x10xi32> to vector<64x9xi32>
    %concatenate3A_96 = tpu.concatenate %slice3A_94, %slice3A_95 in 1 : vector<64x1xi32>, vector<64x9xi32> -> vector<64x10xi32>
    %lt3A_97 = vector.broadcast %broadcast_in_dim3A_90 : vector<64x1xi32> to vector<64x10xi32>
    %lt3A_98 = arith.cmpi slt, %iota3A_24, %lt3A_97 : vector<64x10xi32>
    %eq3A_99 = vector.broadcast %broadcast_in_dim3A_90 : vector<64x1xi32> to vector<64x10xi32>
    %eq3A_100 = arith.cmpi eq, %iota3A_24, %eq3A_99 : vector<64x10xi32>
    %broadcast_in_dim3A_101 = vector.shape_cast %broadcast_in_dim3A_71 : vector<64x1xf32> to vector<64x1xf32>
    %broadcast_in_dim3A_102 = vector.broadcast %broadcast_in_dim3A_101 : vector<64x1xf32> to vector<64x10xf32>
    %select_n3A_103 = arith.select %eq3A_100, %broadcast_in_dim3A_102, %concatenate3A_93 : vector<64x10xi1>, vector<64x10xf32>
    %select_n3A_104 = arith.select %lt3A_98, %select_n3A_60, %select_n3A_103 : vector<64x10xi1>, vector<64x10xf32>
    %lt3A_105 = vector.broadcast %broadcast_in_dim3A_90 : vector<64x1xi32> to vector<64x10xi32>
    %lt3A_106 = arith.cmpi slt, %iota3A_24, %lt3A_105 : vector<64x10xi32>
    %eq3A_107 = vector.broadcast %broadcast_in_dim3A_90 : vector<64x1xi32> to vector<64x10xi32>
    %eq3A_108 = arith.cmpi eq, %iota3A_24, %eq3A_107 : vector<64x10xi32>
    %broadcast_in_dim3A_109 = vector.shape_cast %broadcast_in_dim3A_79 : vector<64x1xi32> to vector<64x1xi32>
    %broadcast_in_dim3A_110 = vector.broadcast %broadcast_in_dim3A_109 : vector<64x1xi32> to vector<64x10xi32>
    %select_n3A_111 = arith.select %eq3A_108, %broadcast_in_dim3A_110, %concatenate3A_96 : vector<64x10xi1>, vector<64x10xi32>
    %select_n3A_112 = arith.select %lt3A_106, %select_n3A_68, %select_n3A_111 : vector<64x10xi1>, vector<64x10xi32>
    %reduce_max3A_113 = arith.constant dense<0xFF800000> : vector<64xf32>
    %reduce_max3A_114 = vector.multi_reduction <maximumf>, %select_n3A_84, %reduce_max3A_113 [1] : vector<64x4096xf32> to vector<64xf32>
    %broadcast_in_dim3A_115 = vector.shape_cast %reduce_max3A_114 : vector<64xf32> to vector<64x1xf32>
    %eq3A_116 = vector.broadcast %broadcast_in_dim3A_115 : vector<64x1xf32> to vector<64x4096xf32>
    %eq3A_117 = arith.cmpf oeq, %select_n3A_84, %eq3A_116 : vector<64x4096xf32>
    %jit3A_118 = arith.constant 2147483647 : i32
    %broadcast_in_dim3A_119 = vector.broadcast %jit3A_118 : i32 to vector<64x4096xi32>
    %select_n3A_120 = arith.select %eq3A_117, %add3A_20, %broadcast_in_dim3A_119 : vector<64x4096xi1>, vector<64x4096xi32>
    %reduce_min3A_121 = arith.constant dense<2147483647> : vector<64xi32>
    %reduce_min3A_122 = vector.multi_reduction <minsi>, %select_n3A_120, %reduce_min3A_121 [1] : vector<64x4096xi32> to vector<64xi32>
    %broadcast_in_dim3A_123 = vector.shape_cast %reduce_min3A_122 : vector<64xi32> to vector<64x1xi32>
    %eq3A_124 = vector.broadcast %broadcast_in_dim3A_123 : vector<64x1xi32> to vector<64x4096xi32>
    %eq3A_125 = arith.cmpi eq, %add3A_20, %eq3A_124 : vector<64x4096xi32>
    %jit3A_126 = arith.constant 0xFF800000 : f32
    %broadcast_in_dim3A_127 = vector.broadcast %jit3A_126 : f32 to vector<64x4096xf32>
    %select_n3A_128 = arith.select %eq3A_125, %broadcast_in_dim3A_127, %select_n3A_84 : vector<64x4096xi1>, vector<64x4096xf32>
    %ge3A_129 = vector.broadcast %broadcast_in_dim3A_115 : vector<64x1xf32> to vector<64x10xf32>
    %ge3A_130 = arith.cmpf oge, %select_n3A_104, %ge3A_129 : vector<64x10xf32>
    %convert_element_type3A_131 = arith.extui %ge3A_130 : vector<64x10xi1> to vector<64x10xi32>
    %reduce_sum3A_132 = arith.constant dense<0> : vector<64xi32>
    %reduce_sum3A_133 = vector.multi_reduction <add>, %convert_element_type3A_131, %reduce_sum3A_132 [1] : vector<64x10xi32> to vector<64xi32>
    %broadcast_in_dim3A_134 = vector.shape_cast %reduce_sum3A_133 : vector<64xi32> to vector<64x1xi32>
    %slice3A_135 = vector.extract_strided_slice %select_n3A_104 {offsets = [0, 0], sizes = [64, 1], strides = [1, 1]} : vector<64x10xf32> to vector<64x1xf32>
    %slice3A_136 = vector.extract_strided_slice %select_n3A_104 {offsets = [0, 0], sizes = [64, 9], strides = [1, 1]} : vector<64x10xf32> to vector<64x9xf32>
    %concatenate3A_137 = tpu.concatenate %slice3A_135, %slice3A_136 in 1 : vector<64x1xf32>, vector<64x9xf32> -> vector<64x10xf32>
    %slice3A_138 = vector.extract_strided_slice %select_n3A_112 {offsets = [0, 0], sizes = [64, 1], strides = [1, 1]} : vector<64x10xi32> to vector<64x1xi32>
    %slice3A_139 = vector.extract_strided_slice %select_n3A_112 {offsets = [0, 0], sizes = [64, 9], strides = [1, 1]} : vector<64x10xi32> to vector<64x9xi32>
    %concatenate3A_140 = tpu.concatenate %slice3A_138, %slice3A_139 in 1 : vector<64x1xi32>, vector<64x9xi32> -> vector<64x10xi32>
    %lt3A_141 = vector.broadcast %broadcast_in_dim3A_134 : vector<64x1xi32> to vector<64x10xi32>
    %lt3A_142 = arith.cmpi slt, %iota3A_24, %lt3A_141 : vector<64x10xi32>
    %eq3A_143 = vector.broadcast %broadcast_in_dim3A_134 : vector<64x1xi32> to vector<64x10xi32>
    %eq3A_144 = arith.cmpi eq, %iota3A_24, %eq3A_143 : vector<64x10xi32>
    %broadcast_in_dim3A_145 = vector.shape_cast %broadcast_in_dim3A_115 : vector<64x1xf32> to vector<64x1xf32>
    %broadcast_in_dim3A_146 = vector.broadcast %broadcast_in_dim3A_145 : vector<64x1xf32> to vector<64x10xf32>
    %select_n3A_147 = arith.select %eq3A_144, %broadcast_in_dim3A_146, %concatenate3A_137 : vector<64x10xi1>, vector<64x10xf32>
    %select_n3A_148 = arith.select %lt3A_142, %select_n3A_104, %select_n3A_147 : vector<64x10xi1>, vector<64x10xf32>
    %lt3A_149 = vector.broadcast %broadcast_in_dim3A_134 : vector<64x1xi32> to vector<64x10xi32>
    %lt3A_150 = arith.cmpi slt, %iota3A_24, %lt3A_149 : vector<64x10xi32>
    %eq3A_151 = vector.broadcast %broadcast_in_dim3A_134 : vector<64x1xi32> to vector<64x10xi32>
    %eq3A_152 = arith.cmpi eq, %iota3A_24, %eq3A_151 : vector<64x10xi32>
    %broadcast_in_dim3A_153 = vector.shape_cast %broadcast_in_dim3A_123 : vector<64x1xi32> to vector<64x1xi32>
    %broadcast_in_dim3A_154 = vector.broadcast %broadcast_in_dim3A_153 : vector<64x1xi32> to vector<64x10xi32>
    %select_n3A_155 = arith.select %eq3A_152, %broadcast_in_dim3A_154, %concatenate3A_140 : vector<64x10xi1>, vector<64x10xi32>
    %select_n3A_156 = arith.select %lt3A_150, %select_n3A_112, %select_n3A_155 : vector<64x10xi1>, vector<64x10xi32>
    %reduce_max3A_157 = arith.constant dense<0xFF800000> : vector<64xf32>
    %reduce_max3A_158 = vector.multi_reduction <maximumf>, %select_n3A_128, %reduce_max3A_157 [1] : vector<64x4096xf32> to vector<64xf32>
    %broadcast_in_dim3A_159 = vector.shape_cast %reduce_max3A_158 : vector<64xf32> to vector<64x1xf32>
    %eq3A_160 = vector.broadcast %broadcast_in_dim3A_159 : vector<64x1xf32> to vector<64x4096xf32>
    %eq3A_161 = arith.cmpf oeq, %select_n3A_128, %eq3A_160 : vector<64x4096xf32>
    %jit3A_162 = arith.constant 2147483647 : i32
    %broadcast_in_dim3A_163 = vector.broadcast %jit3A_162 : i32 to vector<64x4096xi32>
    %select_n3A_164 = arith.select %eq3A_161, %add3A_20, %broadcast_in_dim3A_163 : vector<64x4096xi1>, vector<64x4096xi32>
    %reduce_min3A_165 = arith.constant dense<2147483647> : vector<64xi32>
    %reduce_min3A_166 = vector.multi_reduction <minsi>, %select_n3A_164, %reduce_min3A_165 [1] : vector<64x4096xi32> to vector<64xi32>
    %broadcast_in_dim3A_167 = vector.shape_cast %reduce_min3A_166 : vector<64xi32> to vector<64x1xi32>
    %eq3A_168 = vector.broadcast %broadcast_in_dim3A_167 : vector<64x1xi32> to vector<64x4096xi32>
    %eq3A_169 = arith.cmpi eq, %add3A_20, %eq3A_168 : vector<64x4096xi32>
    %jit3A_170 = arith.constant 0xFF800000 : f32
    %broadcast_in_dim3A_171 = vector.broadcast %jit3A_170 : f32 to vector<64x4096xf32>
    %select_n3A_172 = arith.select %eq3A_169, %broadcast_in_dim3A_171, %select_n3A_128 : vector<64x4096xi1>, vector<64x4096xf32>
    %ge3A_173 = vector.broadcast %broadcast_in_dim3A_159 : vector<64x1xf32> to vector<64x10xf32>
    %ge3A_174 = arith.cmpf oge, %select_n3A_148, %ge3A_173 : vector<64x10xf32>
    %convert_element_type3A_175 = arith.extui %ge3A_174 : vector<64x10xi1> to vector<64x10xi32>
    %reduce_sum3A_176 = arith.constant dense<0> : vector<64xi32>
    %reduce_sum3A_177 = vector.multi_reduction <add>, %convert_element_type3A_175, %reduce_sum3A_176 [1] : vector<64x10xi32> to vector<64xi32>
    %broadcast_in_dim3A_178 = vector.shape_cast %reduce_sum3A_177 : vector<64xi32> to vector<64x1xi32>
    %slice3A_179 = vector.extract_strided_slice %select_n3A_148 {offsets = [0, 0], sizes = [64, 1], strides = [1, 1]} : vector<64x10xf32> to vector<64x1xf32>
    %slice3A_180 = vector.extract_strided_slice %select_n3A_148 {offsets = [0, 0], sizes = [64, 9], strides = [1, 1]} : vector<64x10xf32> to vector<64x9xf32>
    %concatenate3A_181 = tpu.concatenate %slice3A_179, %slice3A_180 in 1 : vector<64x1xf32>, vector<64x9xf32> -> vector<64x10xf32>
    %slice3A_182 = vector.extract_strided_slice %select_n3A_156 {offsets = [0, 0], sizes = [64, 1], strides = [1, 1]} : vector<64x10xi32> to vector<64x1xi32>
    %slice3A_183 = vector.extract_strided_slice %select_n3A_156 {offsets = [0, 0], sizes = [64, 9], strides = [1, 1]} : vector<64x10xi32> to vector<64x9xi32>
    %concatenate3A_184 = tpu.concatenate %slice3A_182, %slice3A_183 in 1 : vector<64x1xi32>, vector<64x9xi32> -> vector<64x10xi32>
    %lt3A_185 = vector.broadcast %broadcast_in_dim3A_178 : vector<64x1xi32> to vector<64x10xi32>
    %lt3A_186 = arith.cmpi slt, %iota3A_24, %lt3A_185 : vector<64x10xi32>
    %eq3A_187 = vector.broadcast %broadcast_in_dim3A_178 : vector<64x1xi32> to vector<64x10xi32>
    %eq3A_188 = arith.cmpi eq, %iota3A_24, %eq3A_187 : vector<64x10xi32>
    %broadcast_in_dim3A_189 = vector.shape_cast %broadcast_in_dim3A_159 : vector<64x1xf32> to vector<64x1xf32>
    %broadcast_in_dim3A_190 = vector.broadcast %broadcast_in_dim3A_189 : vector<64x1xf32> to vector<64x10xf32>
    %select_n3A_191 = arith.select %eq3A_188, %broadcast_in_dim3A_190, %concatenate3A_181 : vector<64x10xi1>, vector<64x10xf32>
    %select_n3A_192 = arith.select %lt3A_186, %select_n3A_148, %select_n3A_191 : vector<64x10xi1>, vector<64x10xf32>
    %lt3A_193 = vector.broadcast %broadcast_in_dim3A_178 : vector<64x1xi32> to vector<64x10xi32>
    %lt3A_194 = arith.cmpi slt, %iota3A_24, %lt3A_193 : vector<64x10xi32>
    %eq3A_195 = vector.broadcast %broadcast_in_dim3A_178 : vector<64x1xi32> to vector<64x10xi32>
    %eq3A_196 = arith.cmpi eq, %iota3A_24, %eq3A_195 : vector<64x10xi32>
    %broadcast_in_dim3A_197 = vector.shape_cast %broadcast_in_dim3A_167 : vector<64x1xi32> to vector<64x1xi32>
    %broadcast_in_dim3A_198 = vector.broadcast %broadcast_in_dim3A_197 : vector<64x1xi32> to vector<64x10xi32>
    %select_n3A_199 = arith.select %eq3A_196, %broadcast_in_dim3A_198, %concatenate3A_184 : vector<64x10xi1>, vector<64x10xi32>
    %select_n3A_200 = arith.select %lt3A_194, %select_n3A_156, %select_n3A_199 : vector<64x10xi1>, vector<64x10xi32>
    %reduce_max3A_201 = arith.constant dense<0xFF800000> : vector<64xf32>
    %reduce_max3A_202 = vector.multi_reduction <maximumf>, %select_n3A_172, %reduce_max3A_201 [1] : vector<64x4096xf32> to vector<64xf32>
    %broadcast_in_dim3A_203 = vector.shape_cast %reduce_max3A_202 : vector<64xf32> to vector<64x1xf32>
    %eq3A_204 = vector.broadcast %broadcast_in_dim3A_203 : vector<64x1xf32> to vector<64x4096xf32>
    %eq3A_205 = arith.cmpf oeq, %select_n3A_172, %eq3A_204 : vector<64x4096xf32>
    %jit3A_206 = arith.constant 2147483647 : i32
    %broadcast_in_dim3A_207 = vector.broadcast %jit3A_206 : i32 to vector<64x4096xi32>
    %select_n3A_208 = arith.select %eq3A_205, %add3A_20, %broadcast_in_dim3A_207 : vector<64x4096xi1>, vector<64x4096xi32>
    %reduce_min3A_209 = arith.constant dense<2147483647> : vector<64xi32>
    %reduce_min3A_210 = vector.multi_reduction <minsi>, %select_n3A_208, %reduce_min3A_209 [1] : vector<64x4096xi32> to vector<64xi32>
    %broadcast_in_dim3A_211 = vector.shape_cast %reduce_min3A_210 : vector<64xi32> to vector<64x1xi32>
    %eq3A_212 = vector.broadcast %broadcast_in_dim3A_211 : vector<64x1xi32> to vector<64x4096xi32>
    %eq3A_213 = arith.cmpi eq, %add3A_20, %eq3A_212 : vector<64x4096xi32>
    %jit3A_214 = arith.constant 0xFF800000 : f32
    %broadcast_in_dim3A_215 = vector.broadcast %jit3A_214 : f32 to vector<64x4096xf32>
    %select_n3A_216 = arith.select %eq3A_213, %broadcast_in_dim3A_215, %select_n3A_172 : vector<64x4096xi1>, vector<64x4096xf32>
    %ge3A_217 = vector.broadcast %broadcast_in_dim3A_203 : vector<64x1xf32> to vector<64x10xf32>
    %ge3A_218 = arith.cmpf oge, %select_n3A_192, %ge3A_217 : vector<64x10xf32>
    %convert_element_type3A_219 = arith.extui %ge3A_218 : vector<64x10xi1> to vector<64x10xi32>
    %reduce_sum3A_220 = arith.constant dense<0> : vector<64xi32>
    %reduce_sum3A_221 = vector.multi_reduction <add>, %convert_element_type3A_219, %reduce_sum3A_220 [1] : vector<64x10xi32> to vector<64xi32>
    %broadcast_in_dim3A_222 = vector.shape_cast %reduce_sum3A_221 : vector<64xi32> to vector<64x1xi32>
    %slice3A_223 = vector.extract_strided_slice %select_n3A_192 {offsets = [0, 0], sizes = [64, 1], strides = [1, 1]} : vector<64x10xf32> to vector<64x1xf32>
    %slice3A_224 = vector.extract_strided_slice %select_n3A_192 {offsets = [0, 0], sizes = [64, 9], strides = [1, 1]} : vector<64x10xf32> to vector<64x9xf32>
    %concatenate3A_225 = tpu.concatenate %slice3A_223, %slice3A_224 in 1 : vector<64x1xf32>, vector<64x9xf32> -> vector<64x10xf32>
    %slice3A_226 = vector.extract_strided_slice %select_n3A_200 {offsets = [0, 0], sizes = [64, 1], strides = [1, 1]} : vector<64x10xi32> to vector<64x1xi32>
    %slice3A_227 = vector.extract_strided_slice %select_n3A_200 {offsets = [0, 0], sizes = [64, 9], strides = [1, 1]} : vector<64x10xi32> to vector<64x9xi32>
    %concatenate3A_228 = tpu.concatenate %slice3A_226, %slice3A_227 in 1 : vector<64x1xi32>, vector<64x9xi32> -> vector<64x10xi32>
    %lt3A_229 = vector.broadcast %broadcast_in_dim3A_222 : vector<64x1xi32> to vector<64x10xi32>
    %lt3A_230 = arith.cmpi slt, %iota3A_24, %lt3A_229 : vector<64x10xi32>
    %eq3A_231 = vector.broadcast %broadcast_in_dim3A_222 : vector<64x1xi32> to vector<64x10xi32>
    %eq3A_232 = arith.cmpi eq, %iota3A_24, %eq3A_231 : vector<64x10xi32>
    %broadcast_in_dim3A_233 = vector.shape_cast %broadcast_in_dim3A_203 : vector<64x1xf32> to vector<64x1xf32>
    %broadcast_in_dim3A_234 = vector.broadcast %broadcast_in_dim3A_233 : vector<64x1xf32> to vector<64x10xf32>
    %select_n3A_235 = arith.select %eq3A_232, %broadcast_in_dim3A_234, %concatenate3A_225 : vector<64x10xi1>, vector<64x10xf32>
    %select_n3A_236 = arith.select %lt3A_230, %select_n3A_192, %select_n3A_235 : vector<64x10xi1>, vector<64x10xf32>
    %lt3A_237 = vector.broadcast %broadcast_in_dim3A_222 : vector<64x1xi32> to vector<64x10xi32>
    %lt3A_238 = arith.cmpi slt, %iota3A_24, %lt3A_237 : vector<64x10xi32>
    %eq3A_239 = vector.broadcast %broadcast_in_dim3A_222 : vector<64x1xi32> to vector<64x10xi32>
    %eq3A_240 = arith.cmpi eq, %iota3A_24, %eq3A_239 : vector<64x10xi32>
    %broadcast_in_dim3A_241 = vector.shape_cast %broadcast_in_dim3A_211 : vector<64x1xi32> to vector<64x1xi32>
    %broadcast_in_dim3A_242 = vector.broadcast %broadcast_in_dim3A_241 : vector<64x1xi32> to vector<64x10xi32>
    %select_n3A_243 = arith.select %eq3A_240, %broadcast_in_dim3A_242, %concatenate3A_228 : vector<64x10xi1>, vector<64x10xi32>
    %select_n3A_244 = arith.select %lt3A_238, %select_n3A_200, %select_n3A_243 : vector<64x10xi1>, vector<64x10xi32>
    %swap3A = arith.constant 0 : index
    %swap3A_245 = arith.constant 0 : index
    %swap3A_246 = vector.load %arg6[%swap3A, %swap3A_245] : memref<64x10xf32, #tpu.memory_space<vmem>>, vector<64x10xf32>
    tpu.vector_store %arg6[%swap3A, %swap3A_245], %select_n3A_236 {strides = array<i32>} : memref<64x10xf32, #tpu.memory_space<vmem>>, vector<64x10xf32>,
    %swap3A_247 = arith.constant 0 : index
    %swap3A_248 = arith.constant 0 : index
    %swap3A_249 = vector.load %arg7[%swap3A_247, %swap3A_248] : memref<64x10xi32, #tpu.memory_space<vmem>>, vector<64x10xi32>
    tpu.vector_store %arg7[%swap3A_247, %swap3A_248], %select_n3A_244 {strides = array<i32>} : memref<64x10xi32, #tpu.memory_space<vmem>>, vector<64x10xi32>,
    %slice3A_250 = vector.extract_strided_slice %select_n3A_236 {offsets = [0, 9], sizes = [64, 1], strides = [1, 1]} : vector<64x10xf32> to vector<64x1xf32>
    %gt3A = arith.cmpf ogt, %broadcast_in_dim3A_203, %slice3A_250 : vector<64x1xf32>
    %reduce_or3A = arith.constant 1.000000e+00 : f32
    %reduce_or3A_251 = arith.constant 0.000000e+00 : f32
    %reduce_or3A_252 = vector.broadcast %reduce_or3A : f32 to vector<64x1xf32>
    %reduce_or3A_253 = vector.broadcast %reduce_or3A_251 : f32 to vector<64x1xf32>
    %reduce_or3A_254 = arith.select %gt3A, %reduce_or3A_252, %reduce_or3A_253 : vector<64x1xi1>, vector<64x1xf32>
    %reduce_or3A_255 = vector.shape_cast %reduce_or3A_254 : vector<64x1xf32> to vector<1x64x1xf32>
    %reduce_or3A_256 = arith.constant dense<0xFF800000> : vector<1xf32>
    %reduce_or3A_257 = vector.multi_reduction <maximumf>, %reduce_or3A_255, %reduce_or3A_256 [1, 2] : vector<1x64x1xf32> to vector<1xf32>
    %reduce_or3A_258 = vector.shape_cast %reduce_or3A_257 : vector<1xf32> to vector<1x1x1xf32>
    %reduce_or3A_259 = vector.extract %reduce_or3A_258[0, 0, 0] : f32 from vector<1x1x1xf32>
    %reduce_or3A_260 = arith.constant 0.000000e+00 : f32
    %reduce_or3A_261 = arith.cmpf ogt, %reduce_or3A_259, %reduce_or3A_260 : f32
    %convert_element_type3A_262 = arith.extui %reduce_or3A_261 : i1 to i32
    %cond3A_263 = arith.constant 2147483647 : i32
    %cond3A_264 = arith.constant 0xFF800000 : f32
    %cond3A_265 = arith.constant 0 : i32
    %cond3A_266 = arith.cmpi ne, %convert_element_type3A_262, %cond3A_265 : i32
    scf.if %cond3A_266 {
      %reduce_max3A_272 = arith.constant dense<0xFF800000> : vector<64xf32>
      %reduce_max3A_273 = vector.multi_reduction <maximumf>, %select_n3A_216, %reduce_max3A_272 [1] : vector<64x4096xf32> to vector<64xf32>
      %broadcast_in_dim3A_274 = vector.shape_cast %reduce_max3A_273 : vector<64xf32> to vector<64x1xf32>
      %eq3A_275 = vector.broadcast %broadcast_in_dim3A_274 : vector<64x1xf32> to vector<64x4096xf32>
      %eq3A_276 = arith.cmpf oeq, %select_n3A_216, %eq3A_275 : vector<64x4096xf32>
      %broadcast_in_dim3A_277 = vector.broadcast %cond3A_263 : i32 to vector<64x4096xi32>
      %select_n3A_278 = arith.select %eq3A_276, %add3A_20, %broadcast_in_dim3A_277 : vector<64x4096xi1>, vector<64x4096xi32>
      %reduce_min3A_279 = arith.constant dense<2147483647> : vector<64xi32>
      %reduce_min3A_280 = vector.multi_reduction <minsi>, %select_n3A_278, %reduce_min3A_279 [1] : vector<64x4096xi32> to vector<64xi32>
      %broadcast_in_dim3A_281 = vector.shape_cast %reduce_min3A_280 : vector<64xi32> to vector<64x1xi32>
      %eq3A_282 = vector.broadcast %broadcast_in_dim3A_281 : vector<64x1xi32> to vector<64x4096xi32>
      %eq3A_283 = arith.cmpi eq, %add3A_20, %eq3A_282 : vector<64x4096xi32>
      %broadcast_in_dim3A_284 = vector.broadcast %cond3A_264 : f32 to vector<64x4096xf32>
      %select_n3A_285 = arith.select %eq3A_283, %broadcast_in_dim3A_284, %select_n3A_216 : vector<64x4096xi1>, vector<64x4096xf32>
      %ge3A_286 = vector.broadcast %broadcast_in_dim3A_274 : vector<64x1xf32> to vector<64x10xf32>
      %ge3A_287 = arith.cmpf oge, %select_n3A_236, %ge3A_286 : vector<64x10xf32>
      %convert_element_type3A_288 = arith.extui %ge3A_287 : vector<64x10xi1> to vector<64x10xi32>
      %reduce_sum3A_289 = arith.constant dense<0> : vector<64xi32>
      %reduce_sum3A_290 = vector.multi_reduction <add>, %convert_element_type3A_288, %reduce_sum3A_289 [1] : vector<64x10xi32> to vector<64xi32>
      %broadcast_in_dim3A_291 = vector.shape_cast %reduce_sum3A_290 : vector<64xi32> to vector<64x1xi32>
      %slice3A_292 = vector.extract_strided_slice %select_n3A_236 {offsets = [0, 0], sizes = [64, 1], strides = [1, 1]} : vector<64x10xf32> to vector<64x1xf32>
      %slice3A_293 = vector.extract_strided_slice %select_n3A_236 {offsets = [0, 0], sizes = [64, 9], strides = [1, 1]} : vector<64x10xf32> to vector<64x9xf32>
      %concatenate3A_294 = tpu.concatenate %slice3A_292, %slice3A_293 in 1 : vector<64x1xf32>, vector<64x9xf32> -> vector<64x10xf32>
      %slice3A_295 = vector.extract_strided_slice %select_n3A_244 {offsets = [0, 0], sizes = [64, 1], strides = [1, 1]} : vector<64x10xi32> to vector<64x1xi32>
      %slice3A_296 = vector.extract_strided_slice %select_n3A_244 {offsets = [0, 0], sizes = [64, 9], strides = [1, 1]} : vector<64x10xi32> to vector<64x9xi32>
      %concatenate3A_297 = tpu.concatenate %slice3A_295, %slice3A_296 in 1 : vector<64x1xi32>, vector<64x9xi32> -> vector<64x10xi32>
      %lt3A_298 = vector.broadcast %broadcast_in_dim3A_291 : vector<64x1xi32> to vector<64x10xi32>
      %lt3A_299 = arith.cmpi slt, %iota3A_24, %lt3A_298 : vector<64x10xi32>
      %eq3A_300 = vector.broadcast %broadcast_in_dim3A_291 : vector<64x1xi32> to vector<64x10xi32>
      %eq3A_301 = arith.cmpi eq, %iota3A_24, %eq3A_300 : vector<64x10xi32>
      %broadcast_in_dim3A_302 = vector.shape_cast %broadcast_in_dim3A_274 : vector<64x1xf32> to vector<64x1xf32>
      %broadcast_in_dim3A_303 = vector.broadcast %broadcast_in_dim3A_302 : vector<64x1xf32> to vector<64x10xf32>
      %select_n3A_304 = arith.select %eq3A_301, %broadcast_in_dim3A_303, %concatenate3A_294 : vector<64x10xi1>, vector<64x10xf32>
      %select_n3A_305 = arith.select %lt3A_299, %select_n3A_236, %select_n3A_304 : vector<64x10xi1>, vector<64x10xf32>
      %lt3A_306 = vector.broadcast %broadcast_in_dim3A_291 : vector<64x1xi32> to vector<64x10xi32>
      %lt3A_307 = arith.cmpi slt, %iota3A_24, %lt3A_306 : vector<64x10xi32>
      %eq3A_308 = vector.broadcast %broadcast_in_dim3A_291 : vector<64x1xi32> to vector<64x10xi32>
      %eq3A_309 = arith.cmpi eq, %iota3A_24, %eq3A_308 : vector<64x10xi32>
      %broadcast_in_dim3A_310 = vector.shape_cast %broadcast_in_dim3A_281 : vector<64x1xi32> to vector<64x1xi32>
      %broadcast_in_dim3A_311 = vector.broadcast %broadcast_in_dim3A_310 : vector<64x1xi32> to vector<64x10xi32>
      %select_n3A_312 = arith.select %eq3A_309, %broadcast_in_dim3A_311, %concatenate3A_297 : vector<64x10xi1>, vector<64x10xi32>
      %select_n3A_313 = arith.select %lt3A_307, %select_n3A_244, %select_n3A_312 : vector<64x10xi1>, vector<64x10xi32>
      %reduce_max3A_314 = arith.constant dense<0xFF800000> : vector<64xf32>
      %reduce_max3A_315 = vector.multi_reduction <maximumf>, %select_n3A_285, %reduce_max3A_314 [1] : vector<64x4096xf32> to vector<64xf32>
      %broadcast_in_dim3A_316 = vector.shape_cast %reduce_max3A_315 : vector<64xf32> to vector<64x1xf32>
      %eq3A_317 = vector.broadcast %broadcast_in_dim3A_316 : vector<64x1xf32> to vector<64x4096xf32>
      %eq3A_318 = arith.cmpf oeq, %select_n3A_285, %eq3A_317 : vector<64x4096xf32>
      %broadcast_in_dim3A_319 = vector.broadcast %cond3A_263 : i32 to vector<64x4096xi32>
      %select_n3A_320 = arith.select %eq3A_318, %add3A_20, %broadcast_in_dim3A_319 : vector<64x4096xi1>, vector<64x4096xi32>
      %reduce_min3A_321 = arith.constant dense<2147483647> : vector<64xi32>
      %reduce_min3A_322 = vector.multi_reduction <minsi>, %select_n3A_320, %reduce_min3A_321 [1] : vector<64x4096xi32> to vector<64xi32>
      %broadcast_in_dim3A_323 = vector.shape_cast %reduce_min3A_322 : vector<64xi32> to vector<64x1xi32>
      %eq3A_324 = vector.broadcast %broadcast_in_dim3A_323 : vector<64x1xi32> to vector<64x4096xi32>
      %eq3A_325 = arith.cmpi eq, %add3A_20, %eq3A_324 : vector<64x4096xi32>
      %broadcast_in_dim3A_326 = vector.broadcast %cond3A_264 : f32 to vector<64x4096xf32>
      %select_n3A_327 = arith.select %eq3A_325, %broadcast_in_dim3A_326, %select_n3A_285 : vector<64x4096xi1>, vector<64x4096xf32>
      %ge3A_328 = vector.broadcast %broadcast_in_dim3A_316 : vector<64x1xf32> to vector<64x10xf32>
      %ge3A_329 = arith.cmpf oge, %select_n3A_305, %ge3A_328 : vector<64x10xf32>
      %convert_element_type3A_330 = arith.extui %ge3A_329 : vector<64x10xi1> to vector<64x10xi32>
      %reduce_sum3A_331 = arith.constant dense<0> : vector<64xi32>
      %reduce_sum3A_332 = vector.multi_reduction <add>, %convert_element_type3A_330, %reduce_sum3A_331 [1] : vector<64x10xi32> to vector<64xi32>
      %broadcast_in_dim3A_333 = vector.shape_cast %reduce_sum3A_332 : vector<64xi32> to vector<64x1xi32>
      %slice3A_334 = vector.extract_strided_slice %select_n3A_305 {offsets = [0, 0], sizes = [64, 1], strides = [1, 1]} : vector<64x10xf32> to vector<64x1xf32>
      %slice3A_335 = vector.extract_strided_slice %select_n3A_305 {offsets = [0, 0], sizes = [64, 9], strides = [1, 1]} : vector<64x10xf32> to vector<64x9xf32>
      %concatenate3A_336 = tpu.concatenate %slice3A_334, %slice3A_335 in 1 : vector<64x1xf32>, vector<64x9xf32> -> vector<64x10xf32>
      %slice3A_337 = vector.extract_strided_slice %select_n3A_313 {offsets = [0, 0], sizes = [64, 1], strides = [1, 1]} : vector<64x10xi32> to vector<64x1xi32>
      %slice3A_338 = vector.extract_strided_slice %select_n3A_313 {offsets = [0, 0], sizes = [64, 9], strides = [1, 1]} : vector<64x10xi32> to vector<64x9xi32>
      %concatenate3A_339 = tpu.concatenate %slice3A_337, %slice3A_338 in 1 : vector<64x1xi32>, vector<64x9xi32> -> vector<64x10xi32>
      %lt3A_340 = vector.broadcast %broadcast_in_dim3A_333 : vector<64x1xi32> to vector<64x10xi32>
      %lt3A_341 = arith.cmpi slt, %iota3A_24, %lt3A_340 : vector<64x10xi32>
      %eq3A_342 = vector.broadcast %broadcast_in_dim3A_333 : vector<64x1xi32> to vector<64x10xi32>
      %eq3A_343 = arith.cmpi eq, %iota3A_24, %eq3A_342 : vector<64x10xi32>
      %broadcast_in_dim3A_344 = vector.shape_cast %broadcast_in_dim3A_316 : vector<64x1xf32> to vector<64x1xf32>
      %broadcast_in_dim3A_345 = vector.broadcast %broadcast_in_dim3A_344 : vector<64x1xf32> to vector<64x10xf32>
      %select_n3A_346 = arith.select %eq3A_343, %broadcast_in_dim3A_345, %concatenate3A_336 : vector<64x10xi1>, vector<64x10xf32>
      %select_n3A_347 = arith.select %lt3A_341, %select_n3A_305, %select_n3A_346 : vector<64x10xi1>, vector<64x10xf32>
      %lt3A_348 = vector.broadcast %broadcast_in_dim3A_333 : vector<64x1xi32> to vector<64x10xi32>
      %lt3A_349 = arith.cmpi slt, %iota3A_24, %lt3A_348 : vector<64x10xi32>
      %eq3A_350 = vector.broadcast %broadcast_in_dim3A_333 : vector<64x1xi32> to vector<64x10xi32>
      %eq3A_351 = arith.cmpi eq, %iota3A_24, %eq3A_350 : vector<64x10xi32>
      %broadcast_in_dim3A_352 = vector.shape_cast %broadcast_in_dim3A_323 : vector<64x1xi32> to vector<64x1xi32>
      %broadcast_in_dim3A_353 = vector.broadcast %broadcast_in_dim3A_352 : vector<64x1xi32> to vector<64x10xi32>
      %select_n3A_354 = arith.select %eq3A_351, %broadcast_in_dim3A_353, %concatenate3A_339 : vector<64x10xi1>, vector<64x10xi32>
      %select_n3A_355 = arith.select %lt3A_349, %select_n3A_313, %select_n3A_354 : vector<64x10xi1>, vector<64x10xi32>
      %reduce_max3A_356 = arith.constant dense<0xFF800000> : vector<64xf32>
      %reduce_max3A_357 = vector.multi_reduction <maximumf>, %select_n3A_327, %reduce_max3A_356 [1] : vector<64x4096xf32> to vector<64xf32>
      %broadcast_in_dim3A_358 = vector.shape_cast %reduce_max3A_357 : vector<64xf32> to vector<64x1xf32>
      %eq3A_359 = vector.broadcast %broadcast_in_dim3A_358 : vector<64x1xf32> to vector<64x4096xf32>
      %eq3A_360 = arith.cmpf oeq, %select_n3A_327, %eq3A_359 : vector<64x4096xf32>
      %broadcast_in_dim3A_361 = vector.broadcast %cond3A_263 : i32 to vector<64x4096xi32>
      %select_n3A_362 = arith.select %eq3A_360, %add3A_20, %broadcast_in_dim3A_361 : vector<64x4096xi1>, vector<64x4096xi32>
      %reduce_min3A_363 = arith.constant dense<2147483647> : vector<64xi32>
      %reduce_min3A_364 = vector.multi_reduction <minsi>, %select_n3A_362, %reduce_min3A_363 [1] : vector<64x4096xi32> to vector<64xi32>
      %broadcast_in_dim3A_365 = vector.shape_cast %reduce_min3A_364 : vector<64xi32> to vector<64x1xi32>
      %eq3A_366 = vector.broadcast %broadcast_in_dim3A_365 : vector<64x1xi32> to vector<64x4096xi32>
      %eq3A_367 = arith.cmpi eq, %add3A_20, %eq3A_366 : vector<64x4096xi32>
      %broadcast_in_dim3A_368 = vector.broadcast %cond3A_264 : f32 to vector<64x4096xf32>
      %select_n3A_369 = arith.select %eq3A_367, %broadcast_in_dim3A_368, %select_n3A_327 : vector<64x4096xi1>, vector<64x4096xf32>
      %ge3A_370 = vector.broadcast %broadcast_in_dim3A_358 : vector<64x1xf32> to vector<64x10xf32>
      %ge3A_371 = arith.cmpf oge, %select_n3A_347, %ge3A_370 : vector<64x10xf32>
      %convert_element_type3A_372 = arith.extui %ge3A_371 : vector<64x10xi1> to vector<64x10xi32>
      %reduce_sum3A_373 = arith.constant dense<0> : vector<64xi32>
      %reduce_sum3A_374 = vector.multi_reduction <add>, %convert_element_type3A_372, %reduce_sum3A_373 [1] : vector<64x10xi32> to vector<64xi32>
      %broadcast_in_dim3A_375 = vector.shape_cast %reduce_sum3A_374 : vector<64xi32> to vector<64x1xi32>
      %slice3A_376 = vector.extract_strided_slice %select_n3A_347 {offsets = [0, 0], sizes = [64, 1], strides = [1, 1]} : vector<64x10xf32> to vector<64x1xf32>
      %slice3A_377 = vector.extract_strided_slice %select_n3A_347 {offsets = [0, 0], sizes = [64, 9], strides = [1, 1]} : vector<64x10xf32> to vector<64x9xf32>
      %concatenate3A_378 = tpu.concatenate %slice3A_376, %slice3A_377 in 1 : vector<64x1xf32>, vector<64x9xf32> -> vector<64x10xf32>
      %slice3A_379 = vector.extract_strided_slice %select_n3A_355 {offsets = [0, 0], sizes = [64, 1], strides = [1, 1]} : vector<64x10xi32> to vector<64x1xi32>
      %slice3A_380 = vector.extract_strided_slice %select_n3A_355 {offsets = [0, 0], sizes = [64, 9], strides = [1, 1]} : vector<64x10xi32> to vector<64x9xi32>
      %concatenate3A_381 = tpu.concatenate %slice3A_379, %slice3A_380 in 1 : vector<64x1xi32>, vector<64x9xi32> -> vector<64x10xi32>
      %lt3A_382 = vector.broadcast %broadcast_in_dim3A_375 : vector<64x1xi32> to vector<64x10xi32>
      %lt3A_383 = arith.cmpi slt, %iota3A_24, %lt3A_382 : vector<64x10xi32>
      %eq3A_384 = vector.broadcast %broadcast_in_dim3A_375 : vector<64x1xi32> to vector<64x10xi32>
      %eq3A_385 = arith.cmpi eq, %iota3A_24, %eq3A_384 : vector<64x10xi32>
      %broadcast_in_dim3A_386 = vector.shape_cast %broadcast_in_dim3A_358 : vector<64x1xf32> to vector<64x1xf32>
      %broadcast_in_dim3A_387 = vector.broadcast %broadcast_in_dim3A_386 : vector<64x1xf32> to vector<64x10xf32>
      %select_n3A_388 = arith.select %eq3A_385, %broadcast_in_dim3A_387, %concatenate3A_378 : vector<64x10xi1>, vector<64x10xf32>
      %select_n3A_389 = arith.select %lt3A_383, %select_n3A_347, %select_n3A_388 : vector<64x10xi1>, vector<64x10xf32>
      %lt3A_390 = vector.broadcast %broadcast_in_dim3A_375 : vector<64x1xi32> to vector<64x10xi32>
      %lt3A_391 = arith.cmpi slt, %iota3A_24, %lt3A_390 : vector<64x10xi32>
      %eq3A_392 = vector.broadcast %broadcast_in_dim3A_375 : vector<64x1xi32> to vector<64x10xi32>
      %eq3A_393 = arith.cmpi eq, %iota3A_24, %eq3A_392 : vector<64x10xi32>
      %broadcast_in_dim3A_394 = vector.shape_cast %broadcast_in_dim3A_365 : vector<64x1xi32> to vector<64x1xi32>
      %broadcast_in_dim3A_395 = vector.broadcast %broadcast_in_dim3A_394 : vector<64x1xi32> to vector<64x10xi32>
      %select_n3A_396 = arith.select %eq3A_393, %broadcast_in_dim3A_395, %concatenate3A_381 : vector<64x10xi1>, vector<64x10xi32>
      %select_n3A_397 = arith.select %lt3A_391, %select_n3A_355, %select_n3A_396 : vector<64x10xi1>, vector<64x10xi32>
      %reduce_max3A_398 = arith.constant dense<0xFF800000> : vector<64xf32>
      %reduce_max3A_399 = vector.multi_reduction <maximumf>, %select_n3A_369, %reduce_max3A_398 [1] : vector<64x4096xf32> to vector<64xf32>
      %broadcast_in_dim3A_400 = vector.shape_cast %reduce_max3A_399 : vector<64xf32> to vector<64x1xf32>
      %eq3A_401 = vector.broadcast %broadcast_in_dim3A_400 : vector<64x1xf32> to vector<64x4096xf32>
      %eq3A_402 = arith.cmpf oeq, %select_n3A_369, %eq3A_401 : vector<64x4096xf32>
      %broadcast_in_dim3A_403 = vector.broadcast %cond3A_263 : i32 to vector<64x4096xi32>
      %select_n3A_404 = arith.select %eq3A_402, %add3A_20, %broadcast_in_dim3A_403 : vector<64x4096xi1>, vector<64x4096xi32>
      %reduce_min3A_405 = arith.constant dense<2147483647> : vector<64xi32>
      %reduce_min3A_406 = vector.multi_reduction <minsi>, %select_n3A_404, %reduce_min3A_405 [1] : vector<64x4096xi32> to vector<64xi32>
      %broadcast_in_dim3A_407 = vector.shape_cast %reduce_min3A_406 : vector<64xi32> to vector<64x1xi32>
      %eq3A_408 = vector.broadcast %broadcast_in_dim3A_407 : vector<64x1xi32> to vector<64x4096xi32>
      %eq3A_409 = arith.cmpi eq, %add3A_20, %eq3A_408 : vector<64x4096xi32>
      %broadcast_in_dim3A_410 = vector.broadcast %cond3A_264 : f32 to vector<64x4096xf32>
      %select_n3A_411 = arith.select %eq3A_409, %broadcast_in_dim3A_410, %select_n3A_369 : vector<64x4096xi1>, vector<64x4096xf32>
      %ge3A_412 = vector.broadcast %broadcast_in_dim3A_400 : vector<64x1xf32> to vector<64x10xf32>
      %ge3A_413 = arith.cmpf oge, %select_n3A_389, %ge3A_412 : vector<64x10xf32>
      %convert_element_type3A_414 = arith.extui %ge3A_413 : vector<64x10xi1> to vector<64x10xi32>
      %reduce_sum3A_415 = arith.constant dense<0> : vector<64xi32>
      %reduce_sum3A_416 = vector.multi_reduction <add>, %convert_element_type3A_414, %reduce_sum3A_415 [1] : vector<64x10xi32> to vector<64xi32>
      %broadcast_in_dim3A_417 = vector.shape_cast %reduce_sum3A_416 : vector<64xi32> to vector<64x1xi32>
      %slice3A_418 = vector.extract_strided_slice %select_n3A_389 {offsets = [0, 0], sizes = [64, 1], strides = [1, 1]} : vector<64x10xf32> to vector<64x1xf32>
      %slice3A_419 = vector.extract_strided_slice %select_n3A_389 {offsets = [0, 0], sizes = [64, 9], strides = [1, 1]} : vector<64x10xf32> to vector<64x9xf32>
      %concatenate3A_420 = tpu.concatenate %slice3A_418, %slice3A_419 in 1 : vector<64x1xf32>, vector<64x9xf32> -> vector<64x10xf32>
      %slice3A_421 = vector.extract_strided_slice %select_n3A_397 {offsets = [0, 0], sizes = [64, 1], strides = [1, 1]} : vector<64x10xi32> to vector<64x1xi32>
      %slice3A_422 = vector.extract_strided_slice %select_n3A_397 {offsets = [0, 0], sizes = [64, 9], strides = [1, 1]} : vector<64x10xi32> to vector<64x9xi32>
      %concatenate3A_423 = tpu.concatenate %slice3A_421, %slice3A_422 in 1 : vector<64x1xi32>, vector<64x9xi32> -> vector<64x10xi32>
      %lt3A_424 = vector.broadcast %broadcast_in_dim3A_417 : vector<64x1xi32> to vector<64x10xi32>
      %lt3A_425 = arith.cmpi slt, %iota3A_24, %lt3A_424 : vector<64x10xi32>
      %eq3A_426 = vector.broadcast %broadcast_in_dim3A_417 : vector<64x1xi32> to vector<64x10xi32>
      %eq3A_427 = arith.cmpi eq, %iota3A_24, %eq3A_426 : vector<64x10xi32>
      %broadcast_in_dim3A_428 = vector.shape_cast %broadcast_in_dim3A_400 : vector<64x1xf32> to vector<64x1xf32>
      %broadcast_in_dim3A_429 = vector.broadcast %broadcast_in_dim3A_428 : vector<64x1xf32> to vector<64x10xf32>
      %select_n3A_430 = arith.select %eq3A_427, %broadcast_in_dim3A_429, %concatenate3A_420 : vector<64x10xi1>, vector<64x10xf32>
      %select_n3A_431 = arith.select %lt3A_425, %select_n3A_389, %select_n3A_430 : vector<64x10xi1>, vector<64x10xf32>
      %lt3A_432 = vector.broadcast %broadcast_in_dim3A_417 : vector<64x1xi32> to vector<64x10xi32>
      %lt3A_433 = arith.cmpi slt, %iota3A_24, %lt3A_432 : vector<64x10xi32>
      %eq3A_434 = vector.broadcast %broadcast_in_dim3A_417 : vector<64x1xi32> to vector<64x10xi32>
      %eq3A_435 = arith.cmpi eq, %iota3A_24, %eq3A_434 : vector<64x10xi32>
      %broadcast_in_dim3A_436 = vector.shape_cast %broadcast_in_dim3A_407 : vector<64x1xi32> to vector<64x1xi32>
      %broadcast_in_dim3A_437 = vector.broadcast %broadcast_in_dim3A_436 : vector<64x1xi32> to vector<64x10xi32>
      %select_n3A_438 = arith.select %eq3A_435, %broadcast_in_dim3A_437, %concatenate3A_423 : vector<64x10xi1>, vector<64x10xi32>
      %select_n3A_439 = arith.select %lt3A_433, %select_n3A_397, %select_n3A_438 : vector<64x10xi1>, vector<64x10xi32>
      %reduce_max3A_440 = arith.constant dense<0xFF800000> : vector<64xf32>
      %reduce_max3A_441 = vector.multi_reduction <maximumf>, %select_n3A_411, %reduce_max3A_440 [1] : vector<64x4096xf32> to vector<64xf32>
      %broadcast_in_dim3A_442 = vector.shape_cast %reduce_max3A_441 : vector<64xf32> to vector<64x1xf32>
      %eq3A_443 = vector.broadcast %broadcast_in_dim3A_442 : vector<64x1xf32> to vector<64x4096xf32>
      %eq3A_444 = arith.cmpf oeq, %select_n3A_411, %eq3A_443 : vector<64x4096xf32>
      %broadcast_in_dim3A_445 = vector.broadcast %cond3A_263 : i32 to vector<64x4096xi32>
      %select_n3A_446 = arith.select %eq3A_444, %add3A_20, %broadcast_in_dim3A_445 : vector<64x4096xi1>, vector<64x4096xi32>
      %reduce_min3A_447 = arith.constant dense<2147483647> : vector<64xi32>
      %reduce_min3A_448 = vector.multi_reduction <minsi>, %select_n3A_446, %reduce_min3A_447 [1] : vector<64x4096xi32> to vector<64xi32>
      %broadcast_in_dim3A_449 = vector.shape_cast %reduce_min3A_448 : vector<64xi32> to vector<64x1xi32>
      %ge3A_450 = vector.broadcast %broadcast_in_dim3A_442 : vector<64x1xf32> to vector<64x10xf32>
      %ge3A_451 = arith.cmpf oge, %select_n3A_431, %ge3A_450 : vector<64x10xf32>
      %convert_element_type3A_452 = arith.extui %ge3A_451 : vector<64x10xi1> to vector<64x10xi32>
      %reduce_sum3A_453 = arith.constant dense<0> : vector<64xi32>
      %reduce_sum3A_454 = vector.multi_reduction <add>, %convert_element_type3A_452, %reduce_sum3A_453 [1] : vector<64x10xi32> to vector<64xi32>
      %broadcast_in_dim3A_455 = vector.shape_cast %reduce_sum3A_454 : vector<64xi32> to vector<64x1xi32>
      %slice3A_456 = vector.extract_strided_slice %select_n3A_431 {offsets = [0, 0], sizes = [64, 1], strides = [1, 1]} : vector<64x10xf32> to vector<64x1xf32>
      %slice3A_457 = vector.extract_strided_slice %select_n3A_431 {offsets = [0, 0], sizes = [64, 9], strides = [1, 1]} : vector<64x10xf32> to vector<64x9xf32>
      %concatenate3A_458 = tpu.concatenate %slice3A_456, %slice3A_457 in 1 : vector<64x1xf32>, vector<64x9xf32> -> vector<64x10xf32>
      %slice3A_459 = vector.extract_strided_slice %select_n3A_439 {offsets = [0, 0], sizes = [64, 1], strides = [1, 1]} : vector<64x10xi32> to vector<64x1xi32>
      %slice3A_460 = vector.extract_strided_slice %select_n3A_439 {offsets = [0, 0], sizes = [64, 9], strides = [1, 1]} : vector<64x10xi32> to vector<64x9xi32>
      %concatenate3A_461 = tpu.concatenate %slice3A_459, %slice3A_460 in 1 : vector<64x1xi32>, vector<64x9xi32> -> vector<64x10xi32>
      %lt3A_462 = vector.broadcast %broadcast_in_dim3A_455 : vector<64x1xi32> to vector<64x10xi32>
      %lt3A_463 = arith.cmpi slt, %iota3A_24, %lt3A_462 : vector<64x10xi32>
      %eq3A_464 = vector.broadcast %broadcast_in_dim3A_455 : vector<64x1xi32> to vector<64x10xi32>
      %eq3A_465 = arith.cmpi eq, %iota3A_24, %eq3A_464 : vector<64x10xi32>
      %broadcast_in_dim3A_466 = vector.shape_cast %broadcast_in_dim3A_442 : vector<64x1xf32> to vector<64x1xf32>
      %broadcast_in_dim3A_467 = vector.broadcast %broadcast_in_dim3A_466 : vector<64x1xf32> to vector<64x10xf32>
      %select_n3A_468 = arith.select %eq3A_465, %broadcast_in_dim3A_467, %concatenate3A_458 : vector<64x10xi1>, vector<64x10xf32>
      %select_n3A_469 = arith.select %lt3A_463, %select_n3A_431, %select_n3A_468 : vector<64x10xi1>, vector<64x10xf32>
      %lt3A_470 = vector.broadcast %broadcast_in_dim3A_455 : vector<64x1xi32> to vector<64x10xi32>
      %lt3A_471 = arith.cmpi slt, %iota3A_24, %lt3A_470 : vector<64x10xi32>
      %eq3A_472 = vector.broadcast %broadcast_in_dim3A_455 : vector<64x1xi32> to vector<64x10xi32>
      %eq3A_473 = arith.cmpi eq, %iota3A_24, %eq3A_472 : vector<64x10xi32>
      %broadcast_in_dim3A_474 = vector.shape_cast %broadcast_in_dim3A_449 : vector<64x1xi32> to vector<64x1xi32>
      %broadcast_in_dim3A_475 = vector.broadcast %broadcast_in_dim3A_474 : vector<64x1xi32> to vector<64x10xi32>
      %select_n3A_476 = arith.select %eq3A_473, %broadcast_in_dim3A_475, %concatenate3A_461 : vector<64x10xi1>, vector<64x10xi32>
      %select_n3A_477 = arith.select %lt3A_471, %select_n3A_439, %select_n3A_476 : vector<64x10xi1>, vector<64x10xi32>
      %swap3A_478 = arith.constant 0 : index
      %swap3A_479 = arith.constant 0 : index
      %swap3A_480 = vector.load %arg6[%swap3A_478, %swap3A_479] : memref<64x10xf32, #tpu.memory_space<vmem>>, vector<64x10xf32>
      tpu.vector_store %arg6[%swap3A_478, %swap3A_479], %select_n3A_469 {strides = array<i32>} : memref<64x10xf32, #tpu.memory_space<vmem>>, vector<64x10xf32>,
      %swap3A_481 = arith.constant 0 : index
      %swap3A_482 = arith.constant 0 : index
      %swap3A_483 = vector.load %arg7[%swap3A_481, %swap3A_482] : memref<64x10xi32, #tpu.memory_space<vmem>>, vector<64x10xi32>
      tpu.vector_store %arg7[%swap3A_481, %swap3A_482], %select_n3A_477 {strides = array<i32>} : memref<64x10xi32, #tpu.memory_space<vmem>>, vector<64x10xi32>,
    } else {
    }
    %eq3A_267 = arith.constant 24 : i32
    %eq3A_268 = arith.cmpi eq, %arg0, %eq3A_267 : i32
    %convert_element_type3A_269 = arith.extui %eq3A_268 : i1 to i32
    %cond3A_270 = arith.constant 0 : i32
    %cond3A_271 = arith.cmpi ne, %convert_element_type3A_269, %cond3A_270 : i32
    scf.if %cond3A_271 {
      %get3A_272 = arith.constant 0 : index
      %get3A_273 = arith.constant 0 : index
      %get3A_274 = vector.load %arg6[%get3A_272, %get3A_273] : memref<64x10xf32, #tpu.memory_space<vmem>>, vector<64x10xf32>
      %swap3A_275 = arith.constant 0 : index
      %swap3A_276 = arith.constant 0 : index
      %swap3A_277 = vector.load %arg3[%swap3A_275, %swap3A_276] : memref<64x10xf32, #tpu.memory_space<vmem>>, vector<64x10xf32>
      tpu.vector_store %arg3[%swap3A_275, %swap3A_276], %get3A_274 {strides = array<i32>} : memref<64x10xf32, #tpu.memory_space<vmem>>, vector<64x10xf32>,
      %get3A_278 = arith.constant 0 : index
      %get3A_279 = arith.constant 0 : index
      %get3A_280 = vector.load %arg7[%get3A_278, %get3A_279] : memref<64x10xi32, #tpu.memory_space<vmem>>, vector<64x10xi32>
      %swap3A_281 = arith.constant 0 : index
      %swap3A_282 = arith.constant 0 : index
      %swap3A_283 = vector.load %arg4[%swap3A_281, %swap3A_282] : memref<64x10xi32, #tpu.memory_space<vmem>>, vector<64x10xi32>
      tpu.vector_store %arg4[%swap3A_281, %swap3A_282], %get3A_280 {strides = array<i32>} : memref<64x10xi32, #tpu.memory_space<vmem>>, vector<64x10xi32>,
    } else {
    }
    return
  }
  func.func @transform_0(%arg0: i32) -> (i32, i32) {
    %c0_i32 = arith.constant 0 : i32
    %c0_i32_0 = arith.constant 0 : i32
    %c0_i32_1 = arith.constant 0 : i32
    return %c0_i32, %c0_i32_0 : i32, i32
  }
  func.func @transform_1(%arg0: i32) -> (i32, i32) {
    %c0_i32 = arith.constant 0 : i32
    %c0_i32_0 = arith.constant 0 : i32
    return %arg0, %c0_i32 : i32, i32
  }
  func.func @transform_2(%arg0: i32) -> (i32, i32) {
    %c0_i32 = arith.constant 0 : i32
    %c0_i32_0 = arith.constant 0 : i32
    %c0_i32_1 = arith.constant 0 : i32
    return %c0_i32, %c0_i32_0 : i32, i32
  }
  func.func @transform_3(%arg0: i32) -> (i32, i32) {
    %c0_i32 = arith.constant 0 : i32
    %c0_i32_0 = arith.constant 0 : i32
    %c0_i32_1 = arith.constant 0 : i32
    return %c0_i32, %c0_i32_0 : i32, i32
  }
}

</mosaic_0001>

<sc_bundles>
// kernel: kernel.4.cloned.1.call-start
scs
__scs_entry_jumppad:
0x0: {  	(pc) =	sbr.rel $0x88, $3  }
0x1: {  	(tag) =	ssettag $0x0;
	lr =	simm.s32 $0x1  }
0x2: {  	[smem:$0x3F9D] =	sst lr;
	_ =	strace $0xD0000000  }
0x3: {  	_ = 	snop  }
0x4: {  	_ = 	snop  }
0x5: {  	_ = 	snop  }
0x6: {  	_ = 	snop  }
0x7: {  	_ = 	snop  }
__scs_overlays_trampoline_lowered:
0x8: {  	[smem:$0x3FAC] =	sst s0  }
0x9: {  	[smem:$0x3FAD] =	sst s1  }
0xa: {  	[smem:$0x3FAE] =	sst s2  }
0xb: {  	[smem:$0x3FAF] =	sst s3  }
0xc: {  	[smem:$0x3FB0] =	sst s4  }
0xd: {  	[smem:$0x3FB1] =	sst s5  }
0xe: {  	[smem:$0x3FB2] =	sst s6  }
0xf: {  	[smem:$0x3FB3] =	sst s7  }
0x10: {  	[smem:$0x3FB4] =	sst s8  }
0x11: {  	[smem:$0x3FB5] =	sst s9;
	s0 =	simm.s32 @!p0 $0x0  }
0x12: {  	s1 =	sld [smem:$0x3F9B];
	s0 =	simm.s32 @p0 $0x1  }
0x13: {  	[smem:$0x3FB6] =	sst s0;
	s0 =	simm.s32 @!p1 $0x0  }
0x14: {  	s2 =	sld [smem:$0x3F9A];
	s0 =	simm.s32 @p1 $0x1  }
0x15: {  	[smem:$0x3FB7] =	sst s0;
	s0 =	simm.s32 @!p2 $0x0  }
0x16: {  	s3 =	sld [smem:$0x3FDB];
	s0 =	simm.s32 @p2 $0x1  }
0x17: {  	s4 =	simm.s32 $0x1BF5;
	[smem:$0x3FB9] =	sst s0  }
0x18: {  	s0 =	sld [smem:$0x3F9C];
	_ =	swait.ge [sflag:s4], $0x0  }
0x19: {  	s7 =	sld [smem:$0x3F9D]  }
0x1a: {  	s8 =	sadd.s32 $0xFFFFE003, lr  }
0x1b: {  	s9 =	sadd.s32 $0xFFFFFEF7, lr;
	s5 =	simm.s32 $0xFFFFFFFF;
	p2 =	slt.u32 s8, $0xFFFFF086  }
0x1c: {  	p1 =	slt.u32 s9, $0xF7A;
	s5 =	simm.s32 @!p2 $0x0  }
0x1d: {  	s5 =	simm.s32 @p1 $0x1;
	p0 =	seq.s32 s7, s2  }
0x1e: {  	s7 =	smul.u32 @!p0 $0xF7A, s2;
	p2 =	seq.s32 @!p0 s5, $0x0  }
0x1f: {  	s9 =	smul.u32 $0xF7A, s1;
	s8 =	simm.s32 @!p0 $0x1BF5;
	p2 =	por !p2, p0  }
0x20: {  	[sflag:s8] =	ssyncset.s32 @!p0 $0xFFFFF086;
	s6 =	sadd.s32 @!p0 s3, s7;
	s7 =	simm.s32 @!p0 $0x108  }
0x21: {  	s3 =	sadd.s32 s3, s9;
	s6 =	sadd.s32 @!p0 $0x88, s6;
	s7 =	simm.s32 @p2 $0x1082  }
0x22: {  	[simem:s7], [sflag:s8] =	dma.local @!p0 [hbm:s6], $0xF7A  }
0x23: {  	s9 =	sor.u32 $0xD0000000, s2;
	s6 =	simm.s32 $0x108;
	_ =	swait.ge @!p0 [sflag:s8], $0x0  }
0x24: {  	s3 =	sadd.s32 $0x88, s3;
	s6 =	simm.s32 @!p1 $0x1082;
	[sflag:s4] =	ssyncset.s32 $0xFFFFF086  }
0x25: {  	[simem:s6], [sflag:s4] =	dma.local [hbm:s3], $0xF7A  }
0x26: {  	[smem:$0x3F9D] =	sst s1;
	(tag) =	ssettag s2;
	_ =	strace s9  }
0x27: {  	s1 =	sld [smem:$0x3FAD]  }
0x28: {  	s2 =	sld [smem:$0x3FAE]  }
0x29: {  	s4 =	sld [smem:$0x3FB0]  }
0x2a: {  	p0 =	seq.s32 s5, $0x0;
	s5 =	sld [smem:$0x3FB1]  }
0x2b: {  	s6 =	sld [smem:$0x3FB2]  }
0x2c: {  	s7 =	sld [smem:$0x3FB3]  }
0x2d: {  	s3 =	simm.s32 $0x108;
	s8 =	sld [smem:$0x3FB4]  }
0x2e: {  	s3 =	simm.s32 @!p0 $0x1082;
	s9 =	sld [smem:$0x3FB5]  }
0x2f: {  	lr =	sadd.s32 s0, s3;
	s0 =	sld [smem:$0x3FAC]  }
0x30: {  	s3 =	sld [smem:$0x3FAF]  }
0x31: {  	[smem:$0x3FB8] =	sst s10  }
0x32: {  	s10 =	sld [smem:$0x3FB6];
	_ =	sdelay $0x3  }
0x33: {  	p0 =	seq.s32 s10, $0x1;
	s10 =	sld [smem:$0x3FB8];
	_ =	sdelay $0x3  }
0x34: {  	[smem:$0x3FB8] =	sst s10  }
0x35: {  	s10 =	sld [smem:$0x3FB7];
	_ =	sdelay $0x3  }
0x36: {  	p1 =	seq.s32 s10, $0x1;
	s10 =	sld [smem:$0x3FB8];
	_ =	sdelay $0x3  }
0x37: {  	[smem:$0x3FB8] =	sst s10  }
0x38: {  	s10 =	sld [smem:$0x3FB9]  }
0x39: {  	_ = 	snop;
	(pc) =	sbr.ind lr, $3  }
0x3a: {  	_ = 	snop  }
0x3b: {  	_ = 	snop  }
0x3c: {  	p2 =	seq.s32 s10, $0x1;
	s10 =	sld [smem:$0x3FB8]  }
0x3d: {  	_ =	shalt  }
0x3e: {  	_ =	shalt  }
0x3f: {  	_ =	shalt  }
0x40: {  	_ =	shalt  }
0x41: {  	_ =	shalt  }
0x42: {  	_ =	shalt  }
0x43: {  	_ =	shalt  }
0x44: {  	_ =	shalt  }
0x45: {  	_ =	shalt  }
0x46: {  	_ =	shalt  }
0x47: {  	_ =	shalt  }
0x48: {  	_ =	shalt  }
0x49: {  	_ =	shalt  }
0x4a: {  	_ =	shalt  }
0x4b: {  	_ =	shalt  }
0x4c: {  	_ =	shalt  }
0x4d: {  	_ =	shalt  }
0x4e: {  	_ =	shalt  }
0x4f: {  	_ =	shalt  }
0x50: {  	_ =	shalt  }
0x51: {  	_ =	shalt  }
0x52: {  	_ =	shalt  }
0x53: {  	_ =	shalt  }
0x54: {  	_ =	shalt  }
0x55: {  	_ =	shalt  }
0x56: {  	_ =	shalt  }
0x57: {  	_ =	shalt  }
0x58: {  	_ =	shalt  }
0x59: {  	_ =	shalt  }
0x5a: {  	_ =	shalt  }
0x5b: {  	_ =	shalt  }
0x5c: {  	_ =	shalt  }
0x5d: {  	_ =	shalt  }
0x5e: {  	_ =	shalt  }
0x5f: {  	_ =	shalt  }
0x60: {  	_ =	shalt  }
0x61: {  	_ =	shalt  }
0x62: {  	_ =	shalt  }
0x63: {  	_ =	shalt  }
0x64: {  	_ =	shalt  }
0x65: {  	_ =	shalt  }
0x66: {  	_ =	shalt  }
0x67: {  	_ =	shalt  }
0x68: {  	_ =	shalt  }
0x69: {  	_ =	shalt  }
0x6a: {  	_ =	shalt  }
0x6b: {  	_ =	shalt  }
0x6c: {  	_ =	shalt  }
0x6d: {  	_ =	shalt  }
0x6e: {  	_ =	shalt  }
0x6f: {  	_ =	shalt  }
0x70: {  	_ =	shalt  }
0x71: {  	_ =	shalt  }
0x72: {  	_ =	shalt  }
0x73: {  	_ =	shalt  }
0x74: {  	_ =	shalt  }
0x75: {  	_ =	shalt  }
0x76: {  	_ =	shalt  }
0x77: {  	_ =	shalt  }
0x78: {  	_ =	shalt  }
0x79: {  	_ =	shalt  }
0x7a: {  	_ =	shalt  }
0x7b: {  	_ =	shalt  }
0x7c: {  	_ =	shalt  }
0x7d: {  	_ =	shalt  }
0x7e: {  	_ =	shalt  }
0x7f: {  	_ =	shalt  }
0x80: {  	_ =	shalt  }
0x81: {  	_ =	shalt  }
0x82: {  	_ =	shalt  }
0x83: {  	_ =	shalt  }
0x84: {  	_ =	shalt  }
0x85: {  	_ =	shalt  }
0x86: {  	_ =	shalt  }
0x87: {  	_ =	shalt  }
.Lfunc_end0:
.L_simem_size_0:
called_computation_lowered:
.L_overlay_start_0:
0x88: {  	s2 =	sld [smem:$0x3FD9]  }
0x89: {  	s3 =	sld [smem:$0x3FFE];
	_ =	sdelay $0x1  }
0x8a: {  	s1 =	srdreg.scid  }
0x8b: {  	s0 =	sand.u32 $0x1, s1  }
0x8c: {  	s14 =	sshll.u32 s0, $0xA;
	s2 =	sadd.s32 s3, s2  }
0x8d: {  	s2 =	sadd.s32 s2, s14  }
0x8e: {  	[smem:$0x3FC4] =	sst s2  }
0x8f: {  	_ = 	snop  }
0x90: {  	s2 =	sld [smem:$0x3FD0];
	_ =	sdelay $0x2  }
0x91: {  	s15 =	simm.s32 $0xA;
	s4 =	simm.s32 $0x10  }
0x92: {  	[smem:s4], [sflag:s15] =	dma.local [hbm:s2], $0x1  }
0x93: {  	_ =	swait.eq [sflag:s15], $0x1  }
0x94: {  	[sflag:s15] =	ssyncset.done $0x0  }
0x95: {  	[sflag:s15] =	ssyncadd.s32 $0xFFFFFFFF  }
0x96: {  	s16 =	sld [smem:$0x12];
	(tm) =	ssettm $0x1  }
0x97: {  	s17 =	sld [smem:$0x3FFB];
	_ =	sdelay $0x3  }
0x98: {  	_ =	strace s17  }
0x99: {  	s3 =	sld [smem:$0x3FFC];
	_ =	sdelay $0x3  }
0x9a: {  	_ =	strace s3  }
0x9b: {  	s3 =	sld [smem:$0x3FFD];
	_ =	sdelay $0x3  }
0x9c: {  	_ =	strace s3  }
0x9d: {  	_ =	strace $0x8FFFFFFF  }
0x9e: {  	s18 =	sld [smem:$0x3FDB];
	_ =	sdelay $0x1  }
0x9f: {  	s19 =	simm.s32 $_scs_section_size  }
0xa0: {  	s5 =	simm.s32 $_size__tile_overlayer_lowered;
	s6 =	simm.s32 $_tile_overlayer_lowered  }
0xa1: {  	s22 =	simm.s32 $0x1BFF;
	s21 =	sshll.u32 s6, $0x1;
	s3 =	sadd.s32 s19, s18  }
0xa2: {  	s7 =	simm.s32 $0x0;
	s20 =	sshll.u32 s5, $0x1;
	s5 =	sadd.s32 s21, s3  }
0xa3: {  	[timem:s7], [sflag:s22] =	dma.local [hbm:s5], s20  }
0xa4: {  	_ =	swait.ge [sflag:s22], s20  }
0xa5: {  	s4 =	ssub.s32 $0x0, s20;
	[sflag:s22] =	ssyncset.done $0x0  }
0xa6: {  	[sflag:s22] =	ssyncadd.s32 s4;
	_ =	sdelay $0x1  }
0xa7: {  	s23 =	simm.s32 $0x1B8B  }
0xa8: {  	_ =	swait.ge [sflag:s23], $0x1  }
0xa9: {  	[sflag:s23] =	ssyncset.done $0x0  }
0xaa: {  	s25 =	simm.s32 $0x1B8E;
	s24 =	sld [smem:$0x3FFE];
	[sflag:s23] =	ssyncadd.s32 $0xFFFFFFFF  }
0xab: {  	s26 =	simm.s32 $execute0_lowered;
	[smem:$0x3FD2] =	sst s25  }
0xac: {  	s5 =	sshll.u32 s26, $0x1;
	_ =	strace $0x80000046;
	[dreg:$0x1] =	wrdreg $0xFFFFFFFF  }
0xad: {  	s28 =	simm.s32 $_size_execute0_lowered;
	s3 =	sadd.s32 s3, s5;
	[dreg:$0x0] =	wrdreg $0x0  }
0xae: {  	s5 =	sshll.u32 s28, $0x1;
	[dreg:$0x2] =	wrdreg s3  }
0xaf: {  	[dreg:$0x3] =	wrdreg s5  }
0xb0: {  	[dreg:$0x4] =	wrdreg $0xC0  }
0xb1: {  	_ =	task [dreg:s7], $0x5FFFF  }
0xb2: {  	[dreg:$0x1] =	wrdreg $0xFFFFFFFF  }
0xb3: {  	[dreg:$0x0] =	wrdreg $0x60  }
0xb4: {  	[dreg:$0x2] =	wrdreg s24  }
0xb5: {  	[dreg:$0x3] =	wrdreg s16  }
0xb6: {  	[dreg:$0x4] =	wrdreg $0x9  }
0xb7: {  	_ =	task.clear_ibuf [dreg:s7], $0x5FFFF;
	_ =	strace $0x90000046  }
0xb8: {  	s29 =	simm.s32 $0x9;
	_ =	strace $0x80000048  }
0xb9: {  	_ =	swait.ge [sflag:s29], $0x1  }
0xba: {  	[sflag:s29] =	ssyncadd.s32 $0xFFFFFFFF  }
0xbb: {  	_ =	strace $0x90000048  }
0xbc: {  	_ =	sfence  }
0xbd: {  	s30 =	sld [smem:$0x0];
	_ =	sdelay $0x2  }
0xbe: {  	s31 =	sshll.u32 s1, $0xD;
	s1 =	sshrl.u32 s1, $0x2  }
0xbf: {  	s3 =	sand.u32 $0x4000, s31;
	s1 =	sadd.s32 s1, s30  }
0xc0: {  	s0 =	sor.u32 s3, s0;
	s1 =	sshll.u32 s1, $0x11  }
0xc1: {  	s0 =	sor.u32 s1, s0  }
0xc2: {  	s0 =	sadd.s32 $0x8F2B, s0  }
0xc3: {  	[sflag:s0] =	ssyncadd.remote.s32 $0x1  }
0xc4: {  	_ =	sfence.sel $0xFFFF  }
0xc5: {  	[dreg:$0x0] =	wrdreg $0xFFFFFFFF;
	(pc) =	sbr.abs _section_cstart, $3  }
0xc6: {  	[dreg:$0x1] =	wrdreg $0xFFFFFFFF  }
0xc7: {  	_ =	task.clear_ibuf [dreg:s7], $0x2FFFF;
	_ =	strace $0x9FFFFFFF  }
0xc8: {  	(tm) =	ssettm $0x7FFFFFFF  }
0xc9: {  	_ =	shalt  }
tec
execute0_lowered:
.L_overlay_start_1:
0x0: {  	(tag) =	ssettag $0x1  }
0x1: {  	s1 =	srdreg.scid  }
0x2: {  	s0 =	stileid.u32;
	s8 =	rddreg [dreg:$0x0]  }
0x3: {  	s3 =	rddreg [dreg:$0x1];
	s6 =	sand.u32 $0x1, s1;
	s30 =	sshll.u32 s0, $0x1  }
0x4: {  	s2 =	simm.s32 $0x0;
	s1 =	rddreg [dreg:$0x2];
	s7 =	sor.u32 s6, s30  }
0x5: {  	[smem:$0x7FF] =	sst s2;
	s4 =	smul.u32 $0x3, s7  }
0x6: {  	s5 =	sadd.s32 $0x1200, s8;
	_ =	strace $0x80000047;
	s10 =	ssub.s32 $0x2, s6  }
0x7: {  	s6 =	simm.s32 $0x18;
	s4 =	sadd.s32 s3, s4;
	s3 =	simm.s32 $0x2  }
0x8: {  	[tilespmem:s2], [sflag:$0x2] =	stream.linear.gather [hbm4b:s4+s2], $0x18, $0x38;
	[tilespmem:$0xD8] =	vst v63  }
0x9: {  	s9 =	smul.u32 $0x18, s7;
	s11 =	sshrl.u32 s10, $0x1;
	_ =	swait.ge [sflag:s3], $0x18  }
0xa: {  	s7 =	simm.s32 $0x1;
	s31 =	ssub.s32 s10, s11;
	[sflag:s3] =	ssyncset.done $0x0  }
0xb: {  	s8 =	sadd.s32 s9, s8;
	s9 =	smax.u32 s31, $0x1;
	[sflag:s3] =	ssyncadd.s32 $0xFFFFFFE8  }
0xc: {  	[tilespmem:s6], [sflag:$0x1] =	stream.indirect.gather [hbm4b:s5+s6], $0x8, s2, s6, $0xb8;
	[tilespmem:$0xD8] =	vst v63  }
0xd: {  	p0 =	sne.s32 s9, $0x1;
	_ =	swait.ge [sflag:s7], $0xC0  }
.Ltmp0:
0xe: {  	[sflag:s7] =	ssyncset.done $0x0;
	(pc) =	sbr.rel @!p0 .LBB2_2-.Ltmp0, $4  }
0xf: {  	s8 =	sadd.s32 $0x19A00, s8;
	[sflag:s7] =	ssyncadd.s32 $0xFFFFFF40  }
0x10: {  	[hbm4b:s8+s2] =	stream.linear.scatter [tilespmem:s6], [sflag:$0x2], $0xC0, $0x38;
	[tilespmem:$0xD8] =	vst v63  }
0x11: {  	_ =	swait.ge [sflag:s3], $0xC0  }
0x12: {  	s9 =	sadd.s32 $0xFFFFFFFF, s9;
	[sflag:s3] =	ssyncset.done $0x0  }
.LBB2_1:
0x13: {  	p0 =	sne.s32 s9, $0x1;
	s9 =	sadd.s32 $0xFFFFFFFF, s9;
	[sflag:s3] =	ssyncadd.s32 $0xFFFFFF40  }
0x14: {  	[tilespmem:s2], [sflag:$0x2] =	stream.linear.gather [hbm4b:s4+s2], $0x18, $0x38;
	[tilespmem:$0xD8] =	vst v63  }
0x15: {  	_ =	swait.ge [sflag:s3], $0x18  }
0x16: {  	[sflag:s3] =	ssyncset.done $0x0  }
0x17: {  	[sflag:s3] =	ssyncadd.s32 $0xFFFFFFE8  }
0x18: {  	[tilespmem:s6], [sflag:$0x1] =	stream.indirect.gather [hbm4b:s5+s6], $0x8, s2, s6, $0xb8;
	[tilespmem:$0xD8] =	vst v63  }
0x19: {  	_ =	swait.ge [sflag:s7], $0xC0  }
.Ltmp1:
0x1a: {  	[sflag:s7] =	ssyncset.done $0x0;
	(pc) =	sbr.rel @p0 .LBB2_1-.Ltmp1, $4  }
0x1b: {  	[sflag:s7] =	ssyncadd.s32 $0xFFFFFF40  }
0x1c: {  	[hbm4b:s8+s2] =	stream.linear.scatter [tilespmem:s6], [sflag:$0x2], $0xC0, $0x38;
	[tilespmem:$0xD8] =	vst v63  }
0x1d: {  	_ =	swait.ge [sflag:s3], $0xC0  }
0x1e: {  	[sflag:s3] =	ssyncset.done $0x0  }
.LBB2_2:
0x1f: {  	[sflag:s3] =	ssyncadd.s32 $0xFFFFFF40  }
0x20: {  	_ =	sfence.sel $0x180000  }
0x21: {  	[bflag:$0x0] =	sbarrier.arrive $0xFFFF  }
0x22: {  	p0 =	sne.s32 s0, $0x0;
	_ =	strace $0x90000047  }
0x23: {  	s0 =	sadd.s32 @!p0 $0x100000, s1;
	[bflag:$0x2] =	sbarrier.arrive $0xFFFF  }
0x24: {  	[sflag:s0] =	ssyncadd.tile.s32 @!p0 $0x1;
	_ =	shalt  }
.Lfunc_end2:
_tile_overlayer_lowered:
.L_overlay_start_2:
0x25: {  	(tag) =	ssettag $0x2  }
0x26: {  	s0 =	rddreg [dreg:$0x0];
	s2 =	stileid.u32  }
0x27: {  	s1 =	rddreg [dreg:$0x1];
	p0 =	sne.s32 s2, $0x0  }
0x28: {  	s3 =	rddreg [dreg:$0x2];
	[bflag:$0x3] =	sbarrier.arrive $0xFFFF;
	s2 =	simm.s32 @!p0 $0x1C02  }
0x29: {  	[timem:s3], [sflag:s2] =	dma.local @!p0 [hbm:s0], s1  }
0x2a: {  	s0 =	simm.s32 @!p0 $0x2  }
0x2b: {  	_ =	swait.ge @!p0 [sflag:s0], s1  }
0x2c: {  	s1 =	ssub.s32 @!p0 $0x0, s1;
	[sflag:s0] =	ssyncset.done @!p0 $0x0  }
0x2d: {  	[sflag:s0] =	ssyncadd.s32 @!p0 s1  }
0x2e: {  	[bflag:$0x3] =	sbarrier.arrive $0xFFFF  }
0x2f: {  	_ =	shalt  }

</sc_bundles>
